<compile_context>
chip_gen: v7x
topology: tpu7x:2x2x1
jax: 0.10.2.dev20260603
libtpu: 0.0.44.dev20260713+nightly
codegen_flags: <defaults>
</compile_context>

<pallas_src>
import functools

import jax
import jax.numpy as jnp
from jax import lax
from jax.experimental import pallas as pl
from jax.experimental.pallas import tpu as pltpu
from jax.experimental.pallas import tpu_sc as plsc

_NBUF = 4


def _gather_kernel(N, D, NW, b_per_w, C):
    n_chunks = b_per_w // C
    n_groups = n_chunks // _NBUF
    assert n_chunks % _NBUF == 0 and n_groups >= 3
    mesh = plsc.VectorSubcoreMesh(core_axis_name="c", subcore_axis_name="s")
    NC = 2

    @functools.partial(
        pl.kernel,
        mesh=mesh,
        out_type=jax.ShapeDtypeStruct((N, D), jnp.int32),
        scratch_types=(
            [pltpu.VMEM((_NBUF, C), jnp.int32), pltpu.VMEM((_NBUF, C, D), jnp.int32)]
            + [pltpu.SemaphoreType.DMA] * (3 * _NBUF)
        ),
        compiler_params=pltpu.CompilerParams(use_tc_tiling_on_sc=False),
    )
    def k(table_hbm, idx_hbm, out_hbm, idx_v, rows_v, *sems):
        isems = sems[0:_NBUF]
        gsems = sems[_NBUF:2 * _NBUF]
        osems = sems[2 * _NBUF:3 * _NBUF]
        wid = lax.axis_index("s") * NC + lax.axis_index("c")
        base = wid * b_per_w

        def idx_copy(i, j):
            return pltpu.make_async_copy(
                idx_hbm.at[pl.ds(base + i * C, C)], idx_v.at[j], isems[j])

        def gat_copy(j):
            return pltpu.make_async_copy(
                table_hbm.at[idx_v.at[j]], rows_v.at[j], gsems[j])

        def out_copy(i, j):
            return pltpu.make_async_copy(
                rows_v.at[j], out_hbm.at[pl.ds(base + i * C, C)], osems[j])

        for j in range(_NBUF - 1):
            idx_copy(j, j).start()

        for j in range(_NBUF):
            jp = (j - 1) % _NBUF
            idx_copy(j, j).wait()
            gat_copy(j).start()
            if j > 0:
                gat_copy(jp).wait()
                out_copy(j - 1, jp).start()
            idx_copy(j + _NBUF - 1, jp).start()

        def body(g, carry):
            for j in range(_NBUF):
                i = g * _NBUF + j
                jp = (j - 1) % _NBUF
                out_copy(i - _NBUF, j).wait()
                idx_copy(i, j).wait()
                gat_copy(j).start()
                gat_copy(jp).wait()
                out_copy(i - 1, jp).start()
                idx_copy(i + _NBUF - 1, jp).start()
            return carry

        lax.fori_loop(1, n_groups - 1, body, 0)

        for j in range(_NBUF):
            i = (n_groups - 1) * _NBUF + j
            jp = (j - 1) % _NBUF
            out_copy(i - _NBUF, j).wait()
            idx_copy(i, j).wait()
            gat_copy(j).start()
            gat_copy(jp).wait()
            out_copy(i - 1, jp).start()
            if i + _NBUF - 1 < n_chunks:
                idx_copy(i + _NBUF - 1, jp).start()

        last = n_chunks - 1
        jl = last % _NBUF
        gat_copy(jl).wait()
        out_copy(last, jl).start()
        for j in range(_NBUF):
            i = n_chunks - _NBUF + j
            out_copy(i, j % _NBUF).wait()

    return k


def kernel(x, embedding):
    B, H = x.shape
    V, D = embedding.shape
    N = B * H
    NW = 32
    b_per_w = N // NW
    C = 1024
    xf = x.reshape(N)
    out = _gather_kernel(N, D, NW, b_per_w, C)(embedding, xf)
    return out.reshape(B, H, D)

# --- scband reference (transcript-rebuilt; emitter-appended) ---
"""Pipeline reference for scband-sequential-embedding-discrete-87625922773592 (READ-ONLY COPY).

The authoritative reference and input builder live on the scoring server;
editing this copy changes nothing except your own understanding.
"""

import jax, jax.numpy as jnp
import numpy as np

VOCAB = 1000000
DEPTH = 16
BATCH = 16384
HIST = 200

def setup_inputs(seed: int = 0) -> dict:
    key = jax.random.key(seed)
    k1, k2 = jax.random.split(key)
    # forward input: flattened sequence of discrete ids, ndim=2 as per InputSpec(ndim=2)
    x = jax.random.randint(k1, (BATCH, HIST), 0, VOCAB, dtype=jnp.int32)
    # the layer's fixed (non-trainable) int32 embedding table holding discrete symbol codes
    embedding = jax.random.randint(k2, (VOCAB, DEPTH), 0, 256, dtype=jnp.int32)
    return {"x": x, "embedding": embedding}

def reference(x, embedding):
    # self.embedding[x, :] -> gather rows of the table; output shape [B, L, depth]
    return jnp.take(embedding, x, axis=0)

if __name__ == "__main__":
    import jax
    _d = setup_inputs()
    print(jax.jit(kernel)(*tuple(_d.values())))

</pallas_src>

<mosaic_0001>
#map = affine_map<(d0, d1) -> (0, 0)>
#map1 = affine_map<(d0, d1) -> (0)>
module attributes {stable_mosaic.version = 14 : i64} {
  func.func @k(%arg0: i32, %arg1: i32, %arg2: memref<1000000x16xi32, #tpu.memory_space<hbm>>, %arg3: memref<3276800xi32, #tpu.memory_space<hbm>>, %arg4: memref<3276800x16xi32, #tpu.memory_space<hbm>>, %arg5: memref<4x1024xi32, #tpu.memory_space<vmem>>, %arg6: memref<4x1024x16xi32, #tpu.memory_space<vmem>>, %arg7: memref<!tpu.dma_semaphore, #tpu.memory_space<semaphore_mem>>, %arg8: memref<!tpu.dma_semaphore, #tpu.memory_space<semaphore_mem>>, %arg9: memref<!tpu.dma_semaphore, #tpu.memory_space<semaphore_mem>>, %arg10: memref<!tpu.dma_semaphore, #tpu.memory_space<semaphore_mem>>, %arg11: memref<!tpu.dma_semaphore, #tpu.memory_space<semaphore_mem>>, %arg12: memref<!tpu.dma_semaphore, #tpu.memory_space<semaphore_mem>>, %arg13: memref<!tpu.dma_semaphore, #tpu.memory_space<semaphore_mem>>, %arg14: memref<!tpu.dma_semaphore, #tpu.memory_space<semaphore_mem>>, %arg15: memref<!tpu.dma_semaphore, #tpu.memory_space<semaphore_mem>>, %arg16: memref<!tpu.dma_semaphore, #tpu.memory_space<semaphore_mem>>, %arg17: memref<!tpu.dma_semaphore, #tpu.memory_space<semaphore_mem>>, %arg18: memref<!tpu.dma_semaphore, #tpu.memory_space<semaphore_mem>>) attributes {dimension_semantics = [#tpu.dimension_semantics<core_parallel>, #tpu.dimension_semantics<subcore_parallel>], iteration_bounds = array<i64: 2, 16>, scalar_prefetch = 0 : i64, scratch_operands = 14 : i64, tpu.core_type = #tpu.core_type<sc_vector_subcore>, window_params = [{transform_indices = #map}, {transform_indices = #map1}, {transform_indices = #map}]} {
    %mul3A = arith.constant 2 : i32
    %mul3A_0 = arith.muli %arg1, %mul3A : i32
    %add3A = arith.addi %mul3A_0, %arg0 : i32
    %mul3A_1 = arith.constant 102400 : i32
    %mul3A_2 = arith.muli %add3A, %mul3A_1 : i32
    %add3A_3 = arith.constant 0 : i32
    %add3A_4 = arith.addi %mul3A_2, %add3A_3 : i32
    %dma_start3A = arith.constant 0 : i32
    %dma_start3A_5 = arith.constant 0 : i32
    %dma_start3A_6 = tpu.memref_slice %arg5[%dma_start3A, %dma_start3A_5] : memref<4x1024xi32, #tpu.memory_space<vmem>> -> memref<1x1024xi32, #tpu.memory_space<vmem>>
    %dma_start3A_7 = tpu.memref_squeeze %dma_start3A_6 : memref<1x1024xi32, #tpu.memory_space<vmem>> -> memref<1024xi32, #tpu.memory_space<vmem>>
    %dma_start3A_8 = tpu.memref_slice %arg3[%add3A_4] : memref<3276800xi32, #tpu.memory_space<hbm>> -> memref<1024xi32, #tpu.memory_space<hbm>>
    %dma_start3A_9 = arith.constant 0 : i32
    %dma_start3A_10 = tpu.memref_slice %arg5[%dma_start3A, %dma_start3A_9] : memref<4x1024xi32, #tpu.memory_space<vmem>> -> memref<1x1024xi32, #tpu.memory_space<vmem>>
    %dma_start3A_11 = tpu.memref_squeeze %dma_start3A_10 : memref<1x1024xi32, #tpu.memory_space<vmem>> -> memref<1024xi32, #tpu.memory_space<vmem>>
    %dma_start3A_12 = tpu.memref_slice %arg3[%add3A_4] : memref<3276800xi32, #tpu.memory_space<hbm>> -> memref<1024xi32, #tpu.memory_space<hbm>>
    tpu.enqueue_dma source(%dma_start3A_12 : memref<1024xi32, #tpu.memory_space<hbm>>) target(%dma_start3A_11 : memref<1024xi32, #tpu.memory_space<vmem>>) target_semaphore(%arg7 : memref<!tpu.dma_semaphore, #tpu.memory_space<semaphore_mem>>)
    %add3A_13 = arith.constant 1024 : i32
    %add3A_14 = arith.addi %mul3A_2, %add3A_13 : i32
    %dma_start3A_15 = arith.constant 1 : i32
    %dma_start3A_16 = arith.constant 0 : i32
    %dma_start3A_17 = tpu.memref_slice %arg5[%dma_start3A_15, %dma_start3A_16] : memref<4x1024xi32, #tpu.memory_space<vmem>> -> memref<1x1024xi32, #tpu.memory_space<vmem>>
    %dma_start3A_18 = tpu.memref_squeeze %dma_start3A_17 : memref<1x1024xi32, #tpu.memory_space<vmem>> -> memref<1024xi32, #tpu.memory_space<vmem>>
    %dma_start3A_19 = tpu.memref_slice %arg3[%add3A_14] : memref<3276800xi32, #tpu.memory_space<hbm>> -> memref<1024xi32, #tpu.memory_space<hbm>>
    %dma_start3A_20 = arith.constant 0 : i32
    %dma_start3A_21 = tpu.memref_slice %arg5[%dma_start3A_15, %dma_start3A_20] : memref<4x1024xi32, #tpu.memory_space<vmem>> -> memref<1x1024xi32, #tpu.memory_space<vmem>>
    %dma_start3A_22 = tpu.memref_squeeze %dma_start3A_21 : memref<1x1024xi32, #tpu.memory_space<vmem>> -> memref<1024xi32, #tpu.memory_space<vmem>>
    %dma_start3A_23 = tpu.memref_slice %arg3[%add3A_14] : memref<3276800xi32, #tpu.memory_space<hbm>> -> memref<1024xi32, #tpu.memory_space<hbm>>
    tpu.enqueue_dma source(%dma_start3A_23 : memref<1024xi32, #tpu.memory_space<hbm>>) target(%dma_start3A_22 : memref<1024xi32, #tpu.memory_space<vmem>>) target_semaphore(%arg8 : memref<!tpu.dma_semaphore, #tpu.memory_space<semaphore_mem>>)
    %add3A_24 = arith.constant 2048 : i32
    %add3A_25 = arith.addi %mul3A_2, %add3A_24 : i32
    %dma_start3A_26 = arith.constant 2 : i32
    %dma_start3A_27 = arith.constant 0 : i32
    %dma_start3A_28 = tpu.memref_slice %arg5[%dma_start3A_26, %dma_start3A_27] : memref<4x1024xi32, #tpu.memory_space<vmem>> -> memref<1x1024xi32, #tpu.memory_space<vmem>>
    %dma_start3A_29 = tpu.memref_squeeze %dma_start3A_28 : memref<1x1024xi32, #tpu.memory_space<vmem>> -> memref<1024xi32, #tpu.memory_space<vmem>>
    %dma_start3A_30 = tpu.memref_slice %arg3[%add3A_25] : memref<3276800xi32, #tpu.memory_space<hbm>> -> memref<1024xi32, #tpu.memory_space<hbm>>
    %dma_start3A_31 = arith.constant 0 : i32
    %dma_start3A_32 = tpu.memref_slice %arg5[%dma_start3A_26, %dma_start3A_31] : memref<4x1024xi32, #tpu.memory_space<vmem>> -> memref<1x1024xi32, #tpu.memory_space<vmem>>
    %dma_start3A_33 = tpu.memref_squeeze %dma_start3A_32 : memref<1x1024xi32, #tpu.memory_space<vmem>> -> memref<1024xi32, #tpu.memory_space<vmem>>
    %dma_start3A_34 = tpu.memref_slice %arg3[%add3A_25] : memref<3276800xi32, #tpu.memory_space<hbm>> -> memref<1024xi32, #tpu.memory_space<hbm>>
    tpu.enqueue_dma source(%dma_start3A_34 : memref<1024xi32, #tpu.memory_space<hbm>>) target(%dma_start3A_33 : memref<1024xi32, #tpu.memory_space<vmem>>) target_semaphore(%arg9 : memref<!tpu.dma_semaphore, #tpu.memory_space<semaphore_mem>>)
    %add3A_35 = arith.constant 0 : i32
    %add3A_36 = arith.addi %mul3A_2, %add3A_35 : i32
    %dma_wait3A = arith.constant 0 : i32
    %dma_wait3A_37 = arith.constant 0 : i32
    %dma_wait3A_38 = tpu.memref_slice %arg5[%dma_wait3A, %dma_wait3A_37] : memref<4x1024xi32, #tpu.memory_space<vmem>> -> memref<1x1024xi32, #tpu.memory_space<vmem>>
    %dma_wait3A_39 = tpu.memref_squeeze %dma_wait3A_38 : memref<1x1024xi32, #tpu.memory_space<vmem>> -> memref<1024xi32, #tpu.memory_space<vmem>>
    %dma_wait3A_40 = tpu.memref_slice %arg3[%add3A_36] : memref<3276800xi32, #tpu.memory_space<hbm>> -> memref<1024xi32, #tpu.memory_space<hbm>>
    %dma_wait3A_41 = arith.constant 0 : i32
    %dma_wait3A_42 = tpu.memref_slice %arg5[%dma_wait3A, %dma_wait3A_41] : memref<4x1024xi32, #tpu.memory_space<vmem>> -> memref<1x1024xi32, #tpu.memory_space<vmem>>
    %dma_wait3A_43 = tpu.memref_squeeze %dma_wait3A_42 : memref<1x1024xi32, #tpu.memory_space<vmem>> -> memref<1024xi32, #tpu.memory_space<vmem>>
    %dma_wait3A_44 = tpu.memref_slice %arg3[%add3A_36] : memref<3276800xi32, #tpu.memory_space<hbm>> -> memref<1024xi32, #tpu.memory_space<hbm>>
    tpu.wait_dma2 semaphore(%arg7 : memref<!tpu.dma_semaphore, #tpu.memory_space<semaphore_mem>>) src(%dma_wait3A_44 : memref<1024xi32, #tpu.memory_space<hbm>>) dst(%dma_wait3A_43 : memref<1024xi32, #tpu.memory_space<vmem>>)
    %dma_start3A_45 = arith.constant 0 : i32
    %dma_start3A_46 = arith.constant 0 : i32
    %dma_start3A_47 = arith.constant 0 : i32
    %dma_start3A_48 = arith.constant 0 : i32
    %dma_start3A_49 = tpu.memref_slice %arg6[%dma_start3A_46, %dma_start3A_47, %dma_start3A_48] : memref<4x1024x16xi32, #tpu.memory_space<vmem>> -> memref<1x1024x16xi32, #tpu.memory_space<vmem>>
    %dma_start3A_50 = tpu.memref_squeeze %dma_start3A_49 : memref<1x1024x16xi32, #tpu.memory_space<vmem>> -> memref<1024x16xi32, #tpu.memory_space<vmem>>
    %dma_start3A_51 = arith.constant 0 : i32
    %dma_start3A_52 = tpu.memref_slice %arg5[%dma_start3A_45, %dma_start3A_51] : memref<4x1024xi32, #tpu.memory_space<vmem>> -> memref<1x1024xi32, #tpu.memory_space<vmem>>
    %dma_start3A_53 = tpu.memref_squeeze %dma_start3A_52 : memref<1x1024xi32, #tpu.memory_space<vmem>> -> memref<1024xi32, #tpu.memory_space<vmem>>
    %dma_start3A_54 = arith.constant 0 : i32
    %dma_start3A_55 = arith.constant 0 : i32
    %dma_start3A_56 = tpu.memref_slice %arg2[%dma_start3A_54, %dma_start3A_55] : memref<1000000x16xi32, #tpu.memory_space<hbm>> -> memref<1000000x16xi32, #tpu.memory_space<hbm>>
    tpu.enqueue_indirect_dma source(%dma_start3A_56 : memref<1000000x16xi32, #tpu.memory_space<hbm>>) target(%dma_start3A_50 : memref<1024x16xi32, #tpu.memory_space<vmem>>) offsets(%dma_start3A_53 : memref<1024xi32, #tpu.memory_space<vmem>>) semaphore(%arg11 : memref<!tpu.dma_semaphore, #tpu.memory_space<semaphore_mem>>)
    %add3A_57 = arith.constant 3072 : i32
    %add3A_58 = arith.addi %mul3A_2, %add3A_57 : i32
    %dma_start3A_59 = arith.constant 3 : i32
    %dma_start3A_60 = arith.constant 0 : i32
    %dma_start3A_61 = tpu.memref_slice %arg5[%dma_start3A_59, %dma_start3A_60] : memref<4x1024xi32, #tpu.memory_space<vmem>> -> memref<1x1024xi32, #tpu.memory_space<vmem>>
    %dma_start3A_62 = tpu.memref_squeeze %dma_start3A_61 : memref<1x1024xi32, #tpu.memory_space<vmem>> -> memref<1024xi32, #tpu.memory_space<vmem>>
    %dma_start3A_63 = tpu.memref_slice %arg3[%add3A_58] : memref<3276800xi32, #tpu.memory_space<hbm>> -> memref<1024xi32, #tpu.memory_space<hbm>>
    %dma_start3A_64 = arith.constant 0 : i32
    %dma_start3A_65 = tpu.memref_slice %arg5[%dma_start3A_59, %dma_start3A_64] : memref<4x1024xi32, #tpu.memory_space<vmem>> -> memref<1x1024xi32, #tpu.memory_space<vmem>>
    %dma_start3A_66 = tpu.memref_squeeze %dma_start3A_65 : memref<1x1024xi32, #tpu.memory_space<vmem>> -> memref<1024xi32, #tpu.memory_space<vmem>>
    %dma_start3A_67 = tpu.memref_slice %arg3[%add3A_58] : memref<3276800xi32, #tpu.memory_space<hbm>> -> memref<1024xi32, #tpu.memory_space<hbm>>
    tpu.enqueue_dma source(%dma_start3A_67 : memref<1024xi32, #tpu.memory_space<hbm>>) target(%dma_start3A_66 : memref<1024xi32, #tpu.memory_space<vmem>>) target_semaphore(%arg10 : memref<!tpu.dma_semaphore, #tpu.memory_space<semaphore_mem>>)
    %add3A_68 = arith.constant 1024 : i32
    %add3A_69 = arith.addi %mul3A_2, %add3A_68 : i32
    %dma_wait3A_70 = arith.constant 1 : i32
    %dma_wait3A_71 = arith.constant 0 : i32
    %dma_wait3A_72 = tpu.memref_slice %arg5[%dma_wait3A_70, %dma_wait3A_71] : memref<4x1024xi32, #tpu.memory_space<vmem>> -> memref<1x1024xi32, #tpu.memory_space<vmem>>
    %dma_wait3A_73 = tpu.memref_squeeze %dma_wait3A_72 : memref<1x1024xi32, #tpu.memory_space<vmem>> -> memref<1024xi32, #tpu.memory_space<vmem>>
    %dma_wait3A_74 = tpu.memref_slice %arg3[%add3A_69] : memref<3276800xi32, #tpu.memory_space<hbm>> -> memref<1024xi32, #tpu.memory_space<hbm>>
    %dma_wait3A_75 = arith.constant 0 : i32
    %dma_wait3A_76 = tpu.memref_slice %arg5[%dma_wait3A_70, %dma_wait3A_75] : memref<4x1024xi32, #tpu.memory_space<vmem>> -> memref<1x1024xi32, #tpu.memory_space<vmem>>
    %dma_wait3A_77 = tpu.memref_squeeze %dma_wait3A_76 : memref<1x1024xi32, #tpu.memory_space<vmem>> -> memref<1024xi32, #tpu.memory_space<vmem>>
    %dma_wait3A_78 = tpu.memref_slice %arg3[%add3A_69] : memref<3276800xi32, #tpu.memory_space<hbm>> -> memref<1024xi32, #tpu.memory_space<hbm>>
    tpu.wait_dma2 semaphore(%arg8 : memref<!tpu.dma_semaphore, #tpu.memory_space<semaphore_mem>>) src(%dma_wait3A_78 : memref<1024xi32, #tpu.memory_space<hbm>>) dst(%dma_wait3A_77 : memref<1024xi32, #tpu.memory_space<vmem>>)
    %dma_start3A_79 = arith.constant 1 : i32
    %dma_start3A_80 = arith.constant 1 : i32
    %dma_start3A_81 = arith.constant 0 : i32
    %dma_start3A_82 = arith.constant 0 : i32
    %dma_start3A_83 = tpu.memref_slice %arg6[%dma_start3A_80, %dma_start3A_81, %dma_start3A_82] : memref<4x1024x16xi32, #tpu.memory_space<vmem>> -> memref<1x1024x16xi32, #tpu.memory_space<vmem>>
    %dma_start3A_84 = tpu.memref_squeeze %dma_start3A_83 : memref<1x1024x16xi32, #tpu.memory_space<vmem>> -> memref<1024x16xi32, #tpu.memory_space<vmem>>
    %dma_start3A_85 = arith.constant 0 : i32
    %dma_start3A_86 = tpu.memref_slice %arg5[%dma_start3A_79, %dma_start3A_85] : memref<4x1024xi32, #tpu.memory_space<vmem>> -> memref<1x1024xi32, #tpu.memory_space<vmem>>
    %dma_start3A_87 = tpu.memref_squeeze %dma_start3A_86 : memref<1x1024xi32, #tpu.memory_space<vmem>> -> memref<1024xi32, #tpu.memory_space<vmem>>
    %dma_start3A_88 = arith.constant 0 : i32
    %dma_start3A_89 = arith.constant 0 : i32
    %dma_start3A_90 = tpu.memref_slice %arg2[%dma_start3A_88, %dma_start3A_89] : memref<1000000x16xi32, #tpu.memory_space<hbm>> -> memref<1000000x16xi32, #tpu.memory_space<hbm>>
    tpu.enqueue_indirect_dma source(%dma_start3A_90 : memref<1000000x16xi32, #tpu.memory_space<hbm>>) target(%dma_start3A_84 : memref<1024x16xi32, #tpu.memory_space<vmem>>) offsets(%dma_start3A_87 : memref<1024xi32, #tpu.memory_space<vmem>>) semaphore(%arg12 : memref<!tpu.dma_semaphore, #tpu.memory_space<semaphore_mem>>)
    %dma_wait3A_91 = arith.constant 0 : i32
    %dma_wait3A_92 = arith.constant 0 : i32
    %dma_wait3A_93 = arith.constant 0 : i32
    %dma_wait3A_94 = arith.constant 0 : i32
    %dma_wait3A_95 = tpu.memref_slice %arg6[%dma_wait3A_92, %dma_wait3A_93, %dma_wait3A_94] : memref<4x1024x16xi32, #tpu.memory_space<vmem>> -> memref<1x1024x16xi32, #tpu.memory_space<vmem>>
    %dma_wait3A_96 = tpu.memref_squeeze %dma_wait3A_95 : memref<1x1024x16xi32, #tpu.memory_space<vmem>> -> memref<1024x16xi32, #tpu.memory_space<vmem>>
    %dma_wait3A_97 = arith.constant 0 : i32
    %dma_wait3A_98 = tpu.memref_slice %arg5[%dma_wait3A_91, %dma_wait3A_97] : memref<4x1024xi32, #tpu.memory_space<vmem>> -> memref<1x1024xi32, #tpu.memory_space<vmem>>
    %dma_wait3A_99 = tpu.memref_squeeze %dma_wait3A_98 : memref<1x1024xi32, #tpu.memory_space<vmem>> -> memref<1024xi32, #tpu.memory_space<vmem>>
    %dma_wait3A_100 = arith.constant 0 : i32
    %dma_wait3A_101 = arith.constant 0 : i32
    %dma_wait3A_102 = tpu.memref_slice %arg2[%dma_wait3A_100, %dma_wait3A_101] : memref<1000000x16xi32, #tpu.memory_space<hbm>> -> memref<1000000x16xi32, #tpu.memory_space<hbm>>
    tpu.wait_indirect_dma semaphore(%arg11 : memref<!tpu.dma_semaphore, #tpu.memory_space<semaphore_mem>>) src(%dma_wait3A_102 : memref<1000000x16xi32, #tpu.memory_space<hbm>>) dst(%dma_wait3A_96 : memref<1024x16xi32, #tpu.memory_space<vmem>>)
    %add3A_103 = arith.constant 0 : i32
    %add3A_104 = arith.addi %mul3A_2, %add3A_103 : i32
    %dma_start3A_105 = arith.constant 0 : i32
    %dma_start3A_106 = arith.constant 0 : i32
    %dma_start3A_107 = arith.constant 0 : i32
    %dma_start3A_108 = tpu.memref_slice %arg6[%dma_start3A_105, %dma_start3A_106, %dma_start3A_107] : memref<4x1024x16xi32, #tpu.memory_space<vmem>> -> memref<1x1024x16xi32, #tpu.memory_space<vmem>>
    %dma_start3A_109 = tpu.memref_squeeze %dma_start3A_108 : memref<1x1024x16xi32, #tpu.memory_space<vmem>> -> memref<1024x16xi32, #tpu.memory_space<vmem>>
    %dma_start3A_110 = arith.constant 0 : i32
    %dma_start3A_111 = tpu.memref_slice %arg4[%add3A_104, %dma_start3A_110] : memref<3276800x16xi32, #tpu.memory_space<hbm>> -> memref<1024x16xi32, #tpu.memory_space<hbm>>
    %dma_start3A_112 = arith.constant 0 : i32
    %dma_start3A_113 = tpu.memref_slice %arg4[%add3A_104, %dma_start3A_112] : memref<3276800x16xi32, #tpu.memory_space<hbm>> -> memref<1024x16xi32, #tpu.memory_space<hbm>>
    %dma_start3A_114 = arith.constant 0 : i32
    %dma_start3A_115 = arith.constant 0 : i32
    %dma_start3A_116 = tpu.memref_slice %arg6[%dma_start3A_105, %dma_start3A_114, %dma_start3A_115] : memref<4x1024x16xi32, #tpu.memory_space<vmem>> -> memref<1x1024x16xi32, #tpu.memory_space<vmem>>
    %dma_start3A_117 = tpu.memref_squeeze %dma_start3A_116 : memref<1x1024x16xi32, #tpu.memory_space<vmem>> -> memref<1024x16xi32, #tpu.memory_space<vmem>>
    tpu.enqueue_dma source(%dma_start3A_117 : memref<1024x16xi32, #tpu.memory_space<vmem>>) target(%dma_start3A_113 : memref<1024x16xi32, #tpu.memory_space<hbm>>) target_semaphore(%arg15 : memref<!tpu.dma_semaphore, #tpu.memory_space<semaphore_mem>>)
    %add3A_118 = arith.constant 4096 : i32
    %add3A_119 = arith.addi %mul3A_2, %add3A_118 : i32
    %dma_start3A_120 = arith.constant 0 : i32
    %dma_start3A_121 = arith.constant 0 : i32
    %dma_start3A_122 = tpu.memref_slice %arg5[%dma_start3A_120, %dma_start3A_121] : memref<4x1024xi32, #tpu.memory_space<vmem>> -> memref<1x1024xi32, #tpu.memory_space<vmem>>
    %dma_start3A_123 = tpu.memref_squeeze %dma_start3A_122 : memref<1x1024xi32, #tpu.memory_space<vmem>> -> memref<1024xi32, #tpu.memory_space<vmem>>
    %dma_start3A_124 = tpu.memref_slice %arg3[%add3A_119] : memref<3276800xi32, #tpu.memory_space<hbm>> -> memref<1024xi32, #tpu.memory_space<hbm>>
    %dma_start3A_125 = arith.constant 0 : i32
    %dma_start3A_126 = tpu.memref_slice %arg5[%dma_start3A_120, %dma_start3A_125] : memref<4x1024xi32, #tpu.memory_space<vmem>> -> memref<1x1024xi32, #tpu.memory_space<vmem>>
    %dma_start3A_127 = tpu.memref_squeeze %dma_start3A_126 : memref<1x1024xi32, #tpu.memory_space<vmem>> -> memref<1024xi32, #tpu.memory_space<vmem>>
    %dma_start3A_128 = tpu.memref_slice %arg3[%add3A_119] : memref<3276800xi32, #tpu.memory_space<hbm>> -> memref<1024xi32, #tpu.memory_space<hbm>>
    tpu.enqueue_dma source(%dma_start3A_128 : memref<1024xi32, #tpu.memory_space<hbm>>) target(%dma_start3A_127 : memref<1024xi32, #tpu.memory_space<vmem>>) target_semaphore(%arg7 : memref<!tpu.dma_semaphore, #tpu.memory_space<semaphore_mem>>)
    %add3A_129 = arith.constant 2048 : i32
    %add3A_130 = arith.addi %mul3A_2, %add3A_129 : i32
    %dma_wait3A_131 = arith.constant 2 : i32
    %dma_wait3A_132 = arith.constant 0 : i32
    %dma_wait3A_133 = tpu.memref_slice %arg5[%dma_wait3A_131, %dma_wait3A_132] : memref<4x1024xi32, #tpu.memory_space<vmem>> -> memref<1x1024xi32, #tpu.memory_space<vmem>>
    %dma_wait3A_134 = tpu.memref_squeeze %dma_wait3A_133 : memref<1x1024xi32, #tpu.memory_space<vmem>> -> memref<1024xi32, #tpu.memory_space<vmem>>
    %dma_wait3A_135 = tpu.memref_slice %arg3[%add3A_130] : memref<3276800xi32, #tpu.memory_space<hbm>> -> memref<1024xi32, #tpu.memory_space<hbm>>
    %dma_wait3A_136 = arith.constant 0 : i32
    %dma_wait3A_137 = tpu.memref_slice %arg5[%dma_wait3A_131, %dma_wait3A_136] : memref<4x1024xi32, #tpu.memory_space<vmem>> -> memref<1x1024xi32, #tpu.memory_space<vmem>>
    %dma_wait3A_138 = tpu.memref_squeeze %dma_wait3A_137 : memref<1x1024xi32, #tpu.memory_space<vmem>> -> memref<1024xi32, #tpu.memory_space<vmem>>
    %dma_wait3A_139 = tpu.memref_slice %arg3[%add3A_130] : memref<3276800xi32, #tpu.memory_space<hbm>> -> memref<1024xi32, #tpu.memory_space<hbm>>
    tpu.wait_dma2 semaphore(%arg9 : memref<!tpu.dma_semaphore, #tpu.memory_space<semaphore_mem>>) src(%dma_wait3A_139 : memref<1024xi32, #tpu.memory_space<hbm>>) dst(%dma_wait3A_138 : memref<1024xi32, #tpu.memory_space<vmem>>)
    %dma_start3A_140 = arith.constant 2 : i32
    %dma_start3A_141 = arith.constant 2 : i32
    %dma_start3A_142 = arith.constant 0 : i32
    %dma_start3A_143 = arith.constant 0 : i32
    %dma_start3A_144 = tpu.memref_slice %arg6[%dma_start3A_141, %dma_start3A_142, %dma_start3A_143] : memref<4x1024x16xi32, #tpu.memory_space<vmem>> -> memref<1x1024x16xi32, #tpu.memory_space<vmem>>
    %dma_start3A_145 = tpu.memref_squeeze %dma_start3A_144 : memref<1x1024x16xi32, #tpu.memory_space<vmem>> -> memref<1024x16xi32, #tpu.memory_space<vmem>>
    %dma_start3A_146 = arith.constant 0 : i32
    %dma_start3A_147 = tpu.memref_slice %arg5[%dma_start3A_140, %dma_start3A_146] : memref<4x1024xi32, #tpu.memory_space<vmem>> -> memref<1x1024xi32, #tpu.memory_space<vmem>>
    %dma_start3A_148 = tpu.memref_squeeze %dma_start3A_147 : memref<1x1024xi32, #tpu.memory_space<vmem>> -> memref<1024xi32, #tpu.memory_space<vmem>>
    %dma_start3A_149 = arith.constant 0 : i32
    %dma_start3A_150 = arith.constant 0 : i32
    %dma_start3A_151 = tpu.memref_slice %arg2[%dma_start3A_149, %dma_start3A_150] : memref<1000000x16xi32, #tpu.memory_space<hbm>> -> memref<1000000x16xi32, #tpu.memory_space<hbm>>
    tpu.enqueue_indirect_dma source(%dma_start3A_151 : memref<1000000x16xi32, #tpu.memory_space<hbm>>) target(%dma_start3A_145 : memref<1024x16xi32, #tpu.memory_space<vmem>>) offsets(%dma_start3A_148 : memref<1024xi32, #tpu.memory_space<vmem>>) semaphore(%arg13 : memref<!tpu.dma_semaphore, #tpu.memory_space<semaphore_mem>>)
    %dma_wait3A_152 = arith.constant 1 : i32
    %dma_wait3A_153 = arith.constant 1 : i32
    %dma_wait3A_154 = arith.constant 0 : i32
    %dma_wait3A_155 = arith.constant 0 : i32
    %dma_wait3A_156 = tpu.memref_slice %arg6[%dma_wait3A_153, %dma_wait3A_154, %dma_wait3A_155] : memref<4x1024x16xi32, #tpu.memory_space<vmem>> -> memref<1x1024x16xi32, #tpu.memory_space<vmem>>
    %dma_wait3A_157 = tpu.memref_squeeze %dma_wait3A_156 : memref<1x1024x16xi32, #tpu.memory_space<vmem>> -> memref<1024x16xi32, #tpu.memory_space<vmem>>
    %dma_wait3A_158 = arith.constant 0 : i32
    %dma_wait3A_159 = tpu.memref_slice %arg5[%dma_wait3A_152, %dma_wait3A_158] : memref<4x1024xi32, #tpu.memory_space<vmem>> -> memref<1x1024xi32, #tpu.memory_space<vmem>>
    %dma_wait3A_160 = tpu.memref_squeeze %dma_wait3A_159 : memref<1x1024xi32, #tpu.memory_space<vmem>> -> memref<1024xi32, #tpu.memory_space<vmem>>
    %dma_wait3A_161 = arith.constant 0 : i32
    %dma_wait3A_162 = arith.constant 0 : i32
    %dma_wait3A_163 = tpu.memref_slice %arg2[%dma_wait3A_161, %dma_wait3A_162] : memref<1000000x16xi32, #tpu.memory_space<hbm>> -> memref<1000000x16xi32, #tpu.memory_space<hbm>>
    tpu.wait_indirect_dma semaphore(%arg12 : memref<!tpu.dma_semaphore, #tpu.memory_space<semaphore_mem>>) src(%dma_wait3A_163 : memref<1000000x16xi32, #tpu.memory_space<hbm>>) dst(%dma_wait3A_157 : memref<1024x16xi32, #tpu.memory_space<vmem>>)
    %add3A_164 = arith.constant 1024 : i32
    %add3A_165 = arith.addi %mul3A_2, %add3A_164 : i32
    %dma_start3A_166 = arith.constant 1 : i32
    %dma_start3A_167 = arith.constant 0 : i32
    %dma_start3A_168 = arith.constant 0 : i32
    %dma_start3A_169 = tpu.memref_slice %arg6[%dma_start3A_166, %dma_start3A_167, %dma_start3A_168] : memref<4x1024x16xi32, #tpu.memory_space<vmem>> -> memref<1x1024x16xi32, #tpu.memory_space<vmem>>
    %dma_start3A_170 = tpu.memref_squeeze %dma_start3A_169 : memref<1x1024x16xi32, #tpu.memory_space<vmem>> -> memref<1024x16xi32, #tpu.memory_space<vmem>>
    %dma_start3A_171 = arith.constant 0 : i32
    %dma_start3A_172 = tpu.memref_slice %arg4[%add3A_165, %dma_start3A_171] : memref<3276800x16xi32, #tpu.memory_space<hbm>> -> memref<1024x16xi32, #tpu.memory_space<hbm>>
    %dma_start3A_173 = arith.constant 0 : i32
    %dma_start3A_174 = tpu.memref_slice %arg4[%add3A_165, %dma_start3A_173] : memref<3276800x16xi32, #tpu.memory_space<hbm>> -> memref<1024x16xi32, #tpu.memory_space<hbm>>
    %dma_start3A_175 = arith.constant 0 : i32
    %dma_start3A_176 = arith.constant 0 : i32
    %dma_start3A_177 = tpu.memref_slice %arg6[%dma_start3A_166, %dma_start3A_175, %dma_start3A_176] : memref<4x1024x16xi32, #tpu.memory_space<vmem>> -> memref<1x1024x16xi32, #tpu.memory_space<vmem>>
    %dma_start3A_178 = tpu.memref_squeeze %dma_start3A_177 : memref<1x1024x16xi32, #tpu.memory_space<vmem>> -> memref<1024x16xi32, #tpu.memory_space<vmem>>
    tpu.enqueue_dma source(%dma_start3A_178 : memref<1024x16xi32, #tpu.memory_space<vmem>>) target(%dma_start3A_174 : memref<1024x16xi32, #tpu.memory_space<hbm>>) target_semaphore(%arg16 : memref<!tpu.dma_semaphore, #tpu.memory_space<semaphore_mem>>)
    %add3A_179 = arith.constant 5120 : i32
    %add3A_180 = arith.addi %mul3A_2, %add3A_179 : i32
    %dma_start3A_181 = arith.constant 1 : i32
    %dma_start3A_182 = arith.constant 0 : i32
    %dma_start3A_183 = tpu.memref_slice %arg5[%dma_start3A_181, %dma_start3A_182] : memref<4x1024xi32, #tpu.memory_space<vmem>> -> memref<1x1024xi32, #tpu.memory_space<vmem>>
    %dma_start3A_184 = tpu.memref_squeeze %dma_start3A_183 : memref<1x1024xi32, #tpu.memory_space<vmem>> -> memref<1024xi32, #tpu.memory_space<vmem>>
    %dma_start3A_185 = tpu.memref_slice %arg3[%add3A_180] : memref<3276800xi32, #tpu.memory_space<hbm>> -> memref<1024xi32, #tpu.memory_space<hbm>>
    %dma_start3A_186 = arith.constant 0 : i32
    %dma_start3A_187 = tpu.memref_slice %arg5[%dma_start3A_181, %dma_start3A_186] : memref<4x1024xi32, #tpu.memory_space<vmem>> -> memref<1x1024xi32, #tpu.memory_space<vmem>>
    %dma_start3A_188 = tpu.memref_squeeze %dma_start3A_187 : memref<1x1024xi32, #tpu.memory_space<vmem>> -> memref<1024xi32, #tpu.memory_space<vmem>>
    %dma_start3A_189 = tpu.memref_slice %arg3[%add3A_180] : memref<3276800xi32, #tpu.memory_space<hbm>> -> memref<1024xi32, #tpu.memory_space<hbm>>
    tpu.enqueue_dma source(%dma_start3A_189 : memref<1024xi32, #tpu.memory_space<hbm>>) target(%dma_start3A_188 : memref<1024xi32, #tpu.memory_space<vmem>>) target_semaphore(%arg8 : memref<!tpu.dma_semaphore, #tpu.memory_space<semaphore_mem>>)
    %add3A_190 = arith.constant 3072 : i32
    %add3A_191 = arith.addi %mul3A_2, %add3A_190 : i32
    %dma_wait3A_192 = arith.constant 3 : i32
    %dma_wait3A_193 = arith.constant 0 : i32
    %dma_wait3A_194 = tpu.memref_slice %arg5[%dma_wait3A_192, %dma_wait3A_193] : memref<4x1024xi32, #tpu.memory_space<vmem>> -> memref<1x1024xi32, #tpu.memory_space<vmem>>
    %dma_wait3A_195 = tpu.memref_squeeze %dma_wait3A_194 : memref<1x1024xi32, #tpu.memory_space<vmem>> -> memref<1024xi32, #tpu.memory_space<vmem>>
    %dma_wait3A_196 = tpu.memref_slice %arg3[%add3A_191] : memref<3276800xi32, #tpu.memory_space<hbm>> -> memref<1024xi32, #tpu.memory_space<hbm>>
    %dma_wait3A_197 = arith.constant 0 : i32
    %dma_wait3A_198 = tpu.memref_slice %arg5[%dma_wait3A_192, %dma_wait3A_197] : memref<4x1024xi32, #tpu.memory_space<vmem>> -> memref<1x1024xi32, #tpu.memory_space<vmem>>
    %dma_wait3A_199 = tpu.memref_squeeze %dma_wait3A_198 : memref<1x1024xi32, #tpu.memory_space<vmem>> -> memref<1024xi32, #tpu.memory_space<vmem>>
    %dma_wait3A_200 = tpu.memref_slice %arg3[%add3A_191] : memref<3276800xi32, #tpu.memory_space<hbm>> -> memref<1024xi32, #tpu.memory_space<hbm>>
    tpu.wait_dma2 semaphore(%arg10 : memref<!tpu.dma_semaphore, #tpu.memory_space<semaphore_mem>>) src(%dma_wait3A_200 : memref<1024xi32, #tpu.memory_space<hbm>>) dst(%dma_wait3A_199 : memref<1024xi32, #tpu.memory_space<vmem>>)
    %dma_start3A_201 = arith.constant 3 : i32
    %dma_start3A_202 = arith.constant 3 : i32
    %dma_start3A_203 = arith.constant 0 : i32
    %dma_start3A_204 = arith.constant 0 : i32
    %dma_start3A_205 = tpu.memref_slice %arg6[%dma_start3A_202, %dma_start3A_203, %dma_start3A_204] : memref<4x1024x16xi32, #tpu.memory_space<vmem>> -> memref<1x1024x16xi32, #tpu.memory_space<vmem>>
    %dma_start3A_206 = tpu.memref_squeeze %dma_start3A_205 : memref<1x1024x16xi32, #tpu.memory_space<vmem>> -> memref<1024x16xi32, #tpu.memory_space<vmem>>
    %dma_start3A_207 = arith.constant 0 : i32
    %dma_start3A_208 = tpu.memref_slice %arg5[%dma_start3A_201, %dma_start3A_207] : memref<4x1024xi32, #tpu.memory_space<vmem>> -> memref<1x1024xi32, #tpu.memory_space<vmem>>
    %dma_start3A_209 = tpu.memref_squeeze %dma_start3A_208 : memref<1x1024xi32, #tpu.memory_space<vmem>> -> memref<1024xi32, #tpu.memory_space<vmem>>
    %dma_start3A_210 = arith.constant 0 : i32
    %dma_start3A_211 = arith.constant 0 : i32
    %dma_start3A_212 = tpu.memref_slice %arg2[%dma_start3A_210, %dma_start3A_211] : memref<1000000x16xi32, #tpu.memory_space<hbm>> -> memref<1000000x16xi32, #tpu.memory_space<hbm>>
    tpu.enqueue_indirect_dma source(%dma_start3A_212 : memref<1000000x16xi32, #tpu.memory_space<hbm>>) target(%dma_start3A_206 : memref<1024x16xi32, #tpu.memory_space<vmem>>) offsets(%dma_start3A_209 : memref<1024xi32, #tpu.memory_space<vmem>>) semaphore(%arg14 : memref<!tpu.dma_semaphore, #tpu.memory_space<semaphore_mem>>)
    %dma_wait3A_213 = arith.constant 2 : i32
    %dma_wait3A_214 = arith.constant 2 : i32
    %dma_wait3A_215 = arith.constant 0 : i32
    %dma_wait3A_216 = arith.constant 0 : i32
    %dma_wait3A_217 = tpu.memref_slice %arg6[%dma_wait3A_214, %dma_wait3A_215, %dma_wait3A_216] : memref<4x1024x16xi32, #tpu.memory_space<vmem>> -> memref<1x1024x16xi32, #tpu.memory_space<vmem>>
    %dma_wait3A_218 = tpu.memref_squeeze %dma_wait3A_217 : memref<1x1024x16xi32, #tpu.memory_space<vmem>> -> memref<1024x16xi32, #tpu.memory_space<vmem>>
    %dma_wait3A_219 = arith.constant 0 : i32
    %dma_wait3A_220 = tpu.memref_slice %arg5[%dma_wait3A_213, %dma_wait3A_219] : memref<4x1024xi32, #tpu.memory_space<vmem>> -> memref<1x1024xi32, #tpu.memory_space<vmem>>
    %dma_wait3A_221 = tpu.memref_squeeze %dma_wait3A_220 : memref<1x1024xi32, #tpu.memory_space<vmem>> -> memref<1024xi32, #tpu.memory_space<vmem>>
    %dma_wait3A_222 = arith.constant 0 : i32
    %dma_wait3A_223 = arith.constant 0 : i32
    %dma_wait3A_224 = tpu.memref_slice %arg2[%dma_wait3A_222, %dma_wait3A_223] : memref<1000000x16xi32, #tpu.memory_space<hbm>> -> memref<1000000x16xi32, #tpu.memory_space<hbm>>
    tpu.wait_indirect_dma semaphore(%arg13 : memref<!tpu.dma_semaphore, #tpu.memory_space<semaphore_mem>>) src(%dma_wait3A_224 : memref<1000000x16xi32, #tpu.memory_space<hbm>>) dst(%dma_wait3A_218 : memref<1024x16xi32, #tpu.memory_space<vmem>>)
    %add3A_225 = arith.constant 2048 : i32
    %add3A_226 = arith.addi %mul3A_2, %add3A_225 : i32
    %dma_start3A_227 = arith.constant 2 : i32
    %dma_start3A_228 = arith.constant 0 : i32
    %dma_start3A_229 = arith.constant 0 : i32
    %dma_start3A_230 = tpu.memref_slice %arg6[%dma_start3A_227, %dma_start3A_228, %dma_start3A_229] : memref<4x1024x16xi32, #tpu.memory_space<vmem>> -> memref<1x1024x16xi32, #tpu.memory_space<vmem>>
    %dma_start3A_231 = tpu.memref_squeeze %dma_start3A_230 : memref<1x1024x16xi32, #tpu.memory_space<vmem>> -> memref<1024x16xi32, #tpu.memory_space<vmem>>
    %dma_start3A_232 = arith.constant 0 : i32
    %dma_start3A_233 = tpu.memref_slice %arg4[%add3A_226, %dma_start3A_232] : memref<3276800x16xi32, #tpu.memory_space<hbm>> -> memref<1024x16xi32, #tpu.memory_space<hbm>>
    %dma_start3A_234 = arith.constant 0 : i32
    %dma_start3A_235 = tpu.memref_slice %arg4[%add3A_226, %dma_start3A_234] : memref<3276800x16xi32, #tpu.memory_space<hbm>> -> memref<1024x16xi32, #tpu.memory_space<hbm>>
    %dma_start3A_236 = arith.constant 0 : i32
    %dma_start3A_237 = arith.constant 0 : i32
    %dma_start3A_238 = tpu.memref_slice %arg6[%dma_start3A_227, %dma_start3A_236, %dma_start3A_237] : memref<4x1024x16xi32, #tpu.memory_space<vmem>> -> memref<1x1024x16xi32, #tpu.memory_space<vmem>>
    %dma_start3A_239 = tpu.memref_squeeze %dma_start3A_238 : memref<1x1024x16xi32, #tpu.memory_space<vmem>> -> memref<1024x16xi32, #tpu.memory_space<vmem>>
    tpu.enqueue_dma source(%dma_start3A_239 : memref<1024x16xi32, #tpu.memory_space<vmem>>) target(%dma_start3A_235 : memref<1024x16xi32, #tpu.memory_space<hbm>>) target_semaphore(%arg17 : memref<!tpu.dma_semaphore, #tpu.memory_space<semaphore_mem>>)
    %add3A_240 = arith.constant 6144 : i32
    %add3A_241 = arith.addi %mul3A_2, %add3A_240 : i32
    %dma_start3A_242 = arith.constant 2 : i32
    %dma_start3A_243 = arith.constant 0 : i32
    %dma_start3A_244 = tpu.memref_slice %arg5[%dma_start3A_242, %dma_start3A_243] : memref<4x1024xi32, #tpu.memory_space<vmem>> -> memref<1x1024xi32, #tpu.memory_space<vmem>>
    %dma_start3A_245 = tpu.memref_squeeze %dma_start3A_244 : memref<1x1024xi32, #tpu.memory_space<vmem>> -> memref<1024xi32, #tpu.memory_space<vmem>>
    %dma_start3A_246 = tpu.memref_slice %arg3[%add3A_241] : memref<3276800xi32, #tpu.memory_space<hbm>> -> memref<1024xi32, #tpu.memory_space<hbm>>
    %dma_start3A_247 = arith.constant 0 : i32
    %dma_start3A_248 = tpu.memref_slice %arg5[%dma_start3A_242, %dma_start3A_247] : memref<4x1024xi32, #tpu.memory_space<vmem>> -> memref<1x1024xi32, #tpu.memory_space<vmem>>
    %dma_start3A_249 = tpu.memref_squeeze %dma_start3A_248 : memref<1x1024xi32, #tpu.memory_space<vmem>> -> memref<1024xi32, #tpu.memory_space<vmem>>
    %dma_start3A_250 = tpu.memref_slice %arg3[%add3A_241] : memref<3276800xi32, #tpu.memory_space<hbm>> -> memref<1024xi32, #tpu.memory_space<hbm>>
    tpu.enqueue_dma source(%dma_start3A_250 : memref<1024xi32, #tpu.memory_space<hbm>>) target(%dma_start3A_249 : memref<1024xi32, #tpu.memory_space<vmem>>) target_semaphore(%arg9 : memref<!tpu.dma_semaphore, #tpu.memory_space<semaphore_mem>>)
    %scan3A = arith.constant 0 : i32
    %scan3A_251 = arith.constant 1 : i32
    %scan3A_252 = arith.constant 23 : i32
    %scan3A_253 = arith.addi %scan3A_251, %scan3A_252 : i32
    %scan3A_254 = arith.constant 1 : i32
    scf.for %scan3A_614 = %scan3A_251 to %scan3A_253 step %scan3A_254  : i32 {
      %mul3A_615 = arith.constant 4 : i32
      %mul3A_616 = arith.muli %scan3A_614, %mul3A_615 : i32
      %add3A_617 = arith.constant 0 : i32
      %add3A_618 = arith.addi %mul3A_616, %add3A_617 : i32
      %sub3A = arith.constant 4 : i32
      %sub3A_619 = arith.subi %add3A_618, %sub3A : i32
      %mul3A_620 = arith.constant 1024 : i32
      %mul3A_621 = arith.muli %sub3A_619, %mul3A_620 : i32
      %add3A_622 = arith.addi %mul3A_2, %mul3A_621 : i32
      %dma_wait3A_623 = arith.constant 0 : i32
      %dma_wait3A_624 = arith.constant 0 : i32
      %dma_wait3A_625 = arith.constant 0 : i32
      %dma_wait3A_626 = tpu.memref_slice %arg6[%dma_wait3A_623, %dma_wait3A_624, %dma_wait3A_625] : memref<4x1024x16xi32, #tpu.memory_space<vmem>> -> memref<1x1024x16xi32, #tpu.memory_space<vmem>>
      %dma_wait3A_627 = tpu.memref_squeeze %dma_wait3A_626 : memref<1x1024x16xi32, #tpu.memory_space<vmem>> -> memref<1024x16xi32, #tpu.memory_space<vmem>>
      %dma_wait3A_628 = arith.constant 0 : i32
      %dma_wait3A_629 = tpu.memref_slice %arg4[%add3A_622, %dma_wait3A_628] : memref<3276800x16xi32, #tpu.memory_space<hbm>> -> memref<1024x16xi32, #tpu.memory_space<hbm>>
      %dma_wait3A_630 = arith.constant 0 : i32
      %dma_wait3A_631 = tpu.memref_slice %arg4[%add3A_622, %dma_wait3A_630] : memref<3276800x16xi32, #tpu.memory_space<hbm>> -> memref<1024x16xi32, #tpu.memory_space<hbm>>
      %dma_wait3A_632 = arith.constant 0 : i32
      %dma_wait3A_633 = arith.constant 0 : i32
      %dma_wait3A_634 = tpu.memref_slice %arg6[%dma_wait3A_623, %dma_wait3A_632, %dma_wait3A_633] : memref<4x1024x16xi32, #tpu.memory_space<vmem>> -> memref<1x1024x16xi32, #tpu.memory_space<vmem>>
      %dma_wait3A_635 = tpu.memref_squeeze %dma_wait3A_634 : memref<1x1024x16xi32, #tpu.memory_space<vmem>> -> memref<1024x16xi32, #tpu.memory_space<vmem>>
      tpu.wait_dma2 semaphore(%arg15 : memref<!tpu.dma_semaphore, #tpu.memory_space<semaphore_mem>>) src(%dma_wait3A_635 : memref<1024x16xi32, #tpu.memory_space<vmem>>) dst(%dma_wait3A_631 : memref<1024x16xi32, #tpu.memory_space<hbm>>)
      %mul3A_636 = arith.constant 1024 : i32
      %mul3A_637 = arith.muli %add3A_618, %mul3A_636 : i32
      %add3A_638 = arith.addi %mul3A_2, %mul3A_637 : i32
      %dma_wait3A_639 = arith.constant 0 : i32
      %dma_wait3A_640 = arith.constant 0 : i32
      %dma_wait3A_641 = tpu.memref_slice %arg5[%dma_wait3A_639, %dma_wait3A_640] : memref<4x1024xi32, #tpu.memory_space<vmem>> -> memref<1x1024xi32, #tpu.memory_space<vmem>>
      %dma_wait3A_642 = tpu.memref_squeeze %dma_wait3A_641 : memref<1x1024xi32, #tpu.memory_space<vmem>> -> memref<1024xi32, #tpu.memory_space<vmem>>
      %dma_wait3A_643 = tpu.memref_slice %arg3[%add3A_638] : memref<3276800xi32, #tpu.memory_space<hbm>> -> memref<1024xi32, #tpu.memory_space<hbm>>
      %dma_wait3A_644 = arith.constant 0 : i32
      %dma_wait3A_645 = tpu.memref_slice %arg5[%dma_wait3A_639, %dma_wait3A_644] : memref<4x1024xi32, #tpu.memory_space<vmem>> -> memref<1x1024xi32, #tpu.memory_space<vmem>>
      %dma_wait3A_646 = tpu.memref_squeeze %dma_wait3A_645 : memref<1x1024xi32, #tpu.memory_space<vmem>> -> memref<1024xi32, #tpu.memory_space<vmem>>
      %dma_wait3A_647 = tpu.memref_slice %arg3[%add3A_638] : memref<3276800xi32, #tpu.memory_space<hbm>> -> memref<1024xi32, #tpu.memory_space<hbm>>
      tpu.wait_dma2 semaphore(%arg7 : memref<!tpu.dma_semaphore, #tpu.memory_space<semaphore_mem>>) src(%dma_wait3A_647 : memref<1024xi32, #tpu.memory_space<hbm>>) dst(%dma_wait3A_646 : memref<1024xi32, #tpu.memory_space<vmem>>)
      %dma_start3A_648 = arith.constant 0 : i32
      %dma_start3A_649 = arith.constant 0 : i32
      %dma_start3A_650 = arith.constant 0 : i32
      %dma_start3A_651 = arith.constant 0 : i32
      %dma_start3A_652 = tpu.memref_slice %arg6[%dma_start3A_649, %dma_start3A_650, %dma_start3A_651] : memref<4x1024x16xi32, #tpu.memory_space<vmem>> -> memref<1x1024x16xi32, #tpu.memory_space<vmem>>
      %dma_start3A_653 = tpu.memref_squeeze %dma_start3A_652 : memref<1x1024x16xi32, #tpu.memory_space<vmem>> -> memref<1024x16xi32, #tpu.memory_space<vmem>>
      %dma_start3A_654 = arith.constant 0 : i32
      %dma_start3A_655 = tpu.memref_slice %arg5[%dma_start3A_648, %dma_start3A_654] : memref<4x1024xi32, #tpu.memory_space<vmem>> -> memref<1x1024xi32, #tpu.memory_space<vmem>>
      %dma_start3A_656 = tpu.memref_squeeze %dma_start3A_655 : memref<1x1024xi32, #tpu.memory_space<vmem>> -> memref<1024xi32, #tpu.memory_space<vmem>>
      %dma_start3A_657 = arith.constant 0 : i32
      %dma_start3A_658 = arith.constant 0 : i32
      %dma_start3A_659 = tpu.memref_slice %arg2[%dma_start3A_657, %dma_start3A_658] : memref<1000000x16xi32, #tpu.memory_space<hbm>> -> memref<1000000x16xi32, #tpu.memory_space<hbm>>
      tpu.enqueue_indirect_dma source(%dma_start3A_659 : memref<1000000x16xi32, #tpu.memory_space<hbm>>) target(%dma_start3A_653 : memref<1024x16xi32, #tpu.memory_space<vmem>>) offsets(%dma_start3A_656 : memref<1024xi32, #tpu.memory_space<vmem>>) semaphore(%arg11 : memref<!tpu.dma_semaphore, #tpu.memory_space<semaphore_mem>>)
      %dma_wait3A_660 = arith.constant 3 : i32
      %dma_wait3A_661 = arith.constant 3 : i32
      %dma_wait3A_662 = arith.constant 0 : i32
      %dma_wait3A_663 = arith.constant 0 : i32
      %dma_wait3A_664 = tpu.memref_slice %arg6[%dma_wait3A_661, %dma_wait3A_662, %dma_wait3A_663] : memref<4x1024x16xi32, #tpu.memory_space<vmem>> -> memref<1x1024x16xi32, #tpu.memory_space<vmem>>
      %dma_wait3A_665 = tpu.memref_squeeze %dma_wait3A_664 : memref<1x1024x16xi32, #tpu.memory_space<vmem>> -> memref<1024x16xi32, #tpu.memory_space<vmem>>
      %dma_wait3A_666 = arith.constant 0 : i32
      %dma_wait3A_667 = tpu.memref_slice %arg5[%dma_wait3A_660, %dma_wait3A_666] : memref<4x1024xi32, #tpu.memory_space<vmem>> -> memref<1x1024xi32, #tpu.memory_space<vmem>>
      %dma_wait3A_668 = tpu.memref_squeeze %dma_wait3A_667 : memref<1x1024xi32, #tpu.memory_space<vmem>> -> memref<1024xi32, #tpu.memory_space<vmem>>
      %dma_wait3A_669 = arith.constant 0 : i32
      %dma_wait3A_670 = arith.constant 0 : i32
      %dma_wait3A_671 = tpu.memref_slice %arg2[%dma_wait3A_669, %dma_wait3A_670] : memref<1000000x16xi32, #tpu.memory_space<hbm>> -> memref<1000000x16xi32, #tpu.memory_space<hbm>>
      tpu.wait_indirect_dma semaphore(%arg14 : memref<!tpu.dma_semaphore, #tpu.memory_space<semaphore_mem>>) src(%dma_wait3A_671 : memref<1000000x16xi32, #tpu.memory_space<hbm>>) dst(%dma_wait3A_665 : memref<1024x16xi32, #tpu.memory_space<vmem>>)
      %sub3A_672 = arith.constant 1 : i32
      %sub3A_673 = arith.subi %add3A_618, %sub3A_672 : i32
      %mul3A_674 = arith.constant 1024 : i32
      %mul3A_675 = arith.muli %sub3A_673, %mul3A_674 : i32
      %add3A_676 = arith.addi %mul3A_2, %mul3A_675 : i32
      %dma_start3A_677 = arith.constant 3 : i32
      %dma_start3A_678 = arith.constant 0 : i32
      %dma_start3A_679 = arith.constant 0 : i32
      %dma_start3A_680 = tpu.memref_slice %arg6[%dma_start3A_677, %dma_start3A_678, %dma_start3A_679] : memref<4x1024x16xi32, #tpu.memory_space<vmem>> -> memref<1x1024x16xi32, #tpu.memory_space<vmem>>
      %dma_start3A_681 = tpu.memref_squeeze %dma_start3A_680 : memref<1x1024x16xi32, #tpu.memory_space<vmem>> -> memref<1024x16xi32, #tpu.memory_space<vmem>>
      %dma_start3A_682 = arith.constant 0 : i32
      %dma_start3A_683 = tpu.memref_slice %arg4[%add3A_676, %dma_start3A_682] : memref<3276800x16xi32, #tpu.memory_space<hbm>> -> memref<1024x16xi32, #tpu.memory_space<hbm>>
      %dma_start3A_684 = arith.constant 0 : i32
      %dma_start3A_685 = tpu.memref_slice %arg4[%add3A_676, %dma_start3A_684] : memref<3276800x16xi32, #tpu.memory_space<hbm>> -> memref<1024x16xi32, #tpu.memory_space<hbm>>
      %dma_start3A_686 = arith.constant 0 : i32
      %dma_start3A_687 = arith.constant 0 : i32
      %dma_start3A_688 = tpu.memref_slice %arg6[%dma_start3A_677, %dma_start3A_686, %dma_start3A_687] : memref<4x1024x16xi32, #tpu.memory_space<vmem>> -> memref<1x1024x16xi32, #tpu.memory_space<vmem>>
      %dma_start3A_689 = tpu.memref_squeeze %dma_start3A_688 : memref<1x1024x16xi32, #tpu.memory_space<vmem>> -> memref<1024x16xi32, #tpu.memory_space<vmem>>
      tpu.enqueue_dma source(%dma_start3A_689 : memref<1024x16xi32, #tpu.memory_space<vmem>>) target(%dma_start3A_685 : memref<1024x16xi32, #tpu.memory_space<hbm>>) target_semaphore(%arg18 : memref<!tpu.dma_semaphore, #tpu.memory_space<semaphore_mem>>)
      %add3A_690 = arith.constant 4 : i32
      %add3A_691 = arith.addi %add3A_618, %add3A_690 : i32
      %sub3A_692 = arith.constant 1 : i32
      %sub3A_693 = arith.subi %add3A_691, %sub3A_692 : i32
      %mul3A_694 = arith.constant 1024 : i32
      %mul3A_695 = arith.muli %sub3A_693, %mul3A_694 : i32
      %add3A_696 = arith.addi %mul3A_2, %mul3A_695 : i32
      %dma_start3A_697 = arith.constant 3 : i32
      %dma_start3A_698 = arith.constant 0 : i32
      %dma_start3A_699 = tpu.memref_slice %arg5[%dma_start3A_697, %dma_start3A_698] : memref<4x1024xi32, #tpu.memory_space<vmem>> -> memref<1x1024xi32, #tpu.memory_space<vmem>>
      %dma_start3A_700 = tpu.memref_squeeze %dma_start3A_699 : memref<1x1024xi32, #tpu.memory_space<vmem>> -> memref<1024xi32, #tpu.memory_space<vmem>>
      %dma_start3A_701 = tpu.memref_slice %arg3[%add3A_696] : memref<3276800xi32, #tpu.memory_space<hbm>> -> memref<1024xi32, #tpu.memory_space<hbm>>
      %dma_start3A_702 = arith.constant 0 : i32
      %dma_start3A_703 = tpu.memref_slice %arg5[%dma_start3A_697, %dma_start3A_702] : memref<4x1024xi32, #tpu.memory_space<vmem>> -> memref<1x1024xi32, #tpu.memory_space<vmem>>
      %dma_start3A_704 = tpu.memref_squeeze %dma_start3A_703 : memref<1x1024xi32, #tpu.memory_space<vmem>> -> memref<1024xi32, #tpu.memory_space<vmem>>
      %dma_start3A_705 = tpu.memref_slice %arg3[%add3A_696] : memref<3276800xi32, #tpu.memory_space<hbm>> -> memref<1024xi32, #tpu.memory_space<hbm>>
      tpu.enqueue_dma source(%dma_start3A_705 : memref<1024xi32, #tpu.memory_space<hbm>>) target(%dma_start3A_704 : memref<1024xi32, #tpu.memory_space<vmem>>) target_semaphore(%arg10 : memref<!tpu.dma_semaphore, #tpu.memory_space<semaphore_mem>>)
      %mul3A_706 = arith.constant 4 : i32
      %mul3A_707 = arith.muli %scan3A_614, %mul3A_706 : i32
      %add3A_708 = arith.constant 1 : i32
      %add3A_709 = arith.addi %mul3A_707, %add3A_708 : i32
      %sub3A_710 = arith.constant 4 : i32
      %sub3A_711 = arith.subi %add3A_709, %sub3A_710 : i32
      %mul3A_712 = arith.constant 1024 : i32
      %mul3A_713 = arith.muli %sub3A_711, %mul3A_712 : i32
      %add3A_714 = arith.addi %mul3A_2, %mul3A_713 : i32
      %dma_wait3A_715 = arith.constant 1 : i32
      %dma_wait3A_716 = arith.constant 0 : i32
      %dma_wait3A_717 = arith.constant 0 : i32
      %dma_wait3A_718 = tpu.memref_slice %arg6[%dma_wait3A_715, %dma_wait3A_716, %dma_wait3A_717] : memref<4x1024x16xi32, #tpu.memory_space<vmem>> -> memref<1x1024x16xi32, #tpu.memory_space<vmem>>
      %dma_wait3A_719 = tpu.memref_squeeze %dma_wait3A_718 : memref<1x1024x16xi32, #tpu.memory_space<vmem>> -> memref<1024x16xi32, #tpu.memory_space<vmem>>
      %dma_wait3A_720 = arith.constant 0 : i32
      %dma_wait3A_721 = tpu.memref_slice %arg4[%add3A_714, %dma_wait3A_720] : memref<3276800x16xi32, #tpu.memory_space<hbm>> -> memref<1024x16xi32, #tpu.memory_space<hbm>>
      %dma_wait3A_722 = arith.constant 0 : i32
      %dma_wait3A_723 = tpu.memref_slice %arg4[%add3A_714, %dma_wait3A_722] : memref<3276800x16xi32, #tpu.memory_space<hbm>> -> memref<1024x16xi32, #tpu.memory_space<hbm>>
      %dma_wait3A_724 = arith.constant 0 : i32
      %dma_wait3A_725 = arith.constant 0 : i32
      %dma_wait3A_726 = tpu.memref_slice %arg6[%dma_wait3A_715, %dma_wait3A_724, %dma_wait3A_725] : memref<4x1024x16xi32, #tpu.memory_space<vmem>> -> memref<1x1024x16xi32, #tpu.memory_space<vmem>>
      %dma_wait3A_727 = tpu.memref_squeeze %dma_wait3A_726 : memref<1x1024x16xi32, #tpu.memory_space<vmem>> -> memref<1024x16xi32, #tpu.memory_space<vmem>>
      tpu.wait_dma2 semaphore(%arg16 : memref<!tpu.dma_semaphore, #tpu.memory_space<semaphore_mem>>) src(%dma_wait3A_727 : memref<1024x16xi32, #tpu.memory_space<vmem>>) dst(%dma_wait3A_723 : memref<1024x16xi32, #tpu.memory_space<hbm>>)
      %mul3A_728 = arith.constant 1024 : i32
      %mul3A_729 = arith.muli %add3A_709, %mul3A_728 : i32
      %add3A_730 = arith.addi %mul3A_2, %mul3A_729 : i32
      %dma_wait3A_731 = arith.constant 1 : i32
      %dma_wait3A_732 = arith.constant 0 : i32
      %dma_wait3A_733 = tpu.memref_slice %arg5[%dma_wait3A_731, %dma_wait3A_732] : memref<4x1024xi32, #tpu.memory_space<vmem>> -> memref<1x1024xi32, #tpu.memory_space<vmem>>
      %dma_wait3A_734 = tpu.memref_squeeze %dma_wait3A_733 : memref<1x1024xi32, #tpu.memory_space<vmem>> -> memref<1024xi32, #tpu.memory_space<vmem>>
      %dma_wait3A_735 = tpu.memref_slice %arg3[%add3A_730] : memref<3276800xi32, #tpu.memory_space<hbm>> -> memref<1024xi32, #tpu.memory_space<hbm>>
      %dma_wait3A_736 = arith.constant 0 : i32
      %dma_wait3A_737 = tpu.memref_slice %arg5[%dma_wait3A_731, %dma_wait3A_736] : memref<4x1024xi32, #tpu.memory_space<vmem>> -> memref<1x1024xi32, #tpu.memory_space<vmem>>
      %dma_wait3A_738 = tpu.memref_squeeze %dma_wait3A_737 : memref<1x1024xi32, #tpu.memory_space<vmem>> -> memref<1024xi32, #tpu.memory_space<vmem>>
      %dma_wait3A_739 = tpu.memref_slice %arg3[%add3A_730] : memref<3276800xi32, #tpu.memory_space<hbm>> -> memref<1024xi32, #tpu.memory_space<hbm>>
      tpu.wait_dma2 semaphore(%arg8 : memref<!tpu.dma_semaphore, #tpu.memory_space<semaphore_mem>>) src(%dma_wait3A_739 : memref<1024xi32, #tpu.memory_space<hbm>>) dst(%dma_wait3A_738 : memref<1024xi32, #tpu.memory_space<vmem>>)
      %dma_start3A_740 = arith.constant 1 : i32
      %dma_start3A_741 = arith.constant 1 : i32
      %dma_start3A_742 = arith.constant 0 : i32
      %dma_start3A_743 = arith.constant 0 : i32
      %dma_start3A_744 = tpu.memref_slice %arg6[%dma_start3A_741, %dma_start3A_742, %dma_start3A_743] : memref<4x1024x16xi32, #tpu.memory_space<vmem>> -> memref<1x1024x16xi32, #tpu.memory_space<vmem>>
      %dma_start3A_745 = tpu.memref_squeeze %dma_start3A_744 : memref<1x1024x16xi32, #tpu.memory_space<vmem>> -> memref<1024x16xi32, #tpu.memory_space<vmem>>
      %dma_start3A_746 = arith.constant 0 : i32
      %dma_start3A_747 = tpu.memref_slice %arg5[%dma_start3A_740, %dma_start3A_746] : memref<4x1024xi32, #tpu.memory_space<vmem>> -> memref<1x1024xi32, #tpu.memory_space<vmem>>
      %dma_start3A_748 = tpu.memref_squeeze %dma_start3A_747 : memref<1x1024xi32, #tpu.memory_space<vmem>> -> memref<1024xi32, #tpu.memory_space<vmem>>
      %dma_start3A_749 = arith.constant 0 : i32
      %dma_start3A_750 = arith.constant 0 : i32
      %dma_start3A_751 = tpu.memref_slice %arg2[%dma_start3A_749, %dma_start3A_750] : memref<1000000x16xi32, #tpu.memory_space<hbm>> -> memref<1000000x16xi32, #tpu.memory_space<hbm>>
      tpu.enqueue_indirect_dma source(%dma_start3A_751 : memref<1000000x16xi32, #tpu.memory_space<hbm>>) target(%dma_start3A_745 : memref<1024x16xi32, #tpu.memory_space<vmem>>) offsets(%dma_start3A_748 : memref<1024xi32, #tpu.memory_space<vmem>>) semaphore(%arg12 : memref<!tpu.dma_semaphore, #tpu.memory_space<semaphore_mem>>)
      %dma_wait3A_752 = arith.constant 0 : i32
      %dma_wait3A_753 = arith.constant 0 : i32
      %dma_wait3A_754 = arith.constant 0 : i32
      %dma_wait3A_755 = arith.constant 0 : i32
      %dma_wait3A_756 = tpu.memref_slice %arg6[%dma_wait3A_753, %dma_wait3A_754, %dma_wait3A_755] : memref<4x1024x16xi32, #tpu.memory_space<vmem>> -> memref<1x1024x16xi32, #tpu.memory_space<vmem>>
      %dma_wait3A_757 = tpu.memref_squeeze %dma_wait3A_756 : memref<1x1024x16xi32, #tpu.memory_space<vmem>> -> memref<1024x16xi32, #tpu.memory_space<vmem>>
      %dma_wait3A_758 = arith.constant 0 : i32
      %dma_wait3A_759 = tpu.memref_slice %arg5[%dma_wait3A_752, %dma_wait3A_758] : memref<4x1024xi32, #tpu.memory_space<vmem>> -> memref<1x1024xi32, #tpu.memory_space<vmem>>
      %dma_wait3A_760 = tpu.memref_squeeze %dma_wait3A_759 : memref<1x1024xi32, #tpu.memory_space<vmem>> -> memref<1024xi32, #tpu.memory_space<vmem>>
      %dma_wait3A_761 = arith.constant 0 : i32
      %dma_wait3A_762 = arith.constant 0 : i32
      %dma_wait3A_763 = tpu.memref_slice %arg2[%dma_wait3A_761, %dma_wait3A_762] : memref<1000000x16xi32, #tpu.memory_space<hbm>> -> memref<1000000x16xi32, #tpu.memory_space<hbm>>
      tpu.wait_indirect_dma semaphore(%arg11 : memref<!tpu.dma_semaphore, #tpu.memory_space<semaphore_mem>>) src(%dma_wait3A_763 : memref<1000000x16xi32, #tpu.memory_space<hbm>>) dst(%dma_wait3A_757 : memref<1024x16xi32, #tpu.memory_space<vmem>>)
      %sub3A_764 = arith.constant 1 : i32
      %sub3A_765 = arith.subi %add3A_709, %sub3A_764 : i32
      %mul3A_766 = arith.constant 1024 : i32
      %mul3A_767 = arith.muli %sub3A_765, %mul3A_766 : i32
      %add3A_768 = arith.addi %mul3A_2, %mul3A_767 : i32
      %dma_start3A_769 = arith.constant 0 : i32
      %dma_start3A_770 = arith.constant 0 : i32
      %dma_start3A_771 = arith.constant 0 : i32
      %dma_start3A_772 = tpu.memref_slice %arg6[%dma_start3A_769, %dma_start3A_770, %dma_start3A_771] : memref<4x1024x16xi32, #tpu.memory_space<vmem>> -> memref<1x1024x16xi32, #tpu.memory_space<vmem>>
      %dma_start3A_773 = tpu.memref_squeeze %dma_start3A_772 : memref<1x1024x16xi32, #tpu.memory_space<vmem>> -> memref<1024x16xi32, #tpu.memory_space<vmem>>
      %dma_start3A_774 = arith.constant 0 : i32
      %dma_start3A_775 = tpu.memref_slice %arg4[%add3A_768, %dma_start3A_774] : memref<3276800x16xi32, #tpu.memory_space<hbm>> -> memref<1024x16xi32, #tpu.memory_space<hbm>>
      %dma_start3A_776 = arith.constant 0 : i32
      %dma_start3A_777 = tpu.memref_slice %arg4[%add3A_768, %dma_start3A_776] : memref<3276800x16xi32, #tpu.memory_space<hbm>> -> memref<1024x16xi32, #tpu.memory_space<hbm>>
      %dma_start3A_778 = arith.constant 0 : i32
      %dma_start3A_779 = arith.constant 0 : i32
      %dma_start3A_780 = tpu.memref_slice %arg6[%dma_start3A_769, %dma_start3A_778, %dma_start3A_779] : memref<4x1024x16xi32, #tpu.memory_space<vmem>> -> memref<1x1024x16xi32, #tpu.memory_space<vmem>>
      %dma_start3A_781 = tpu.memref_squeeze %dma_start3A_780 : memref<1x1024x16xi32, #tpu.memory_space<vmem>> -> memref<1024x16xi32, #tpu.memory_space<vmem>>
      tpu.enqueue_dma source(%dma_start3A_781 : memref<1024x16xi32, #tpu.memory_space<vmem>>) target(%dma_start3A_777 : memref<1024x16xi32, #tpu.memory_space<hbm>>) target_semaphore(%arg15 : memref<!tpu.dma_semaphore, #tpu.memory_space<semaphore_mem>>)
      %add3A_782 = arith.constant 4 : i32
      %add3A_783 = arith.addi %add3A_709, %add3A_782 : i32
      %sub3A_784 = arith.constant 1 : i32
      %sub3A_785 = arith.subi %add3A_783, %sub3A_784 : i32
      %mul3A_786 = arith.constant 1024 : i32
      %mul3A_787 = arith.muli %sub3A_785, %mul3A_786 : i32
      %add3A_788 = arith.addi %mul3A_2, %mul3A_787 : i32
      %dma_start3A_789 = arith.constant 0 : i32
      %dma_start3A_790 = arith.constant 0 : i32
      %dma_start3A_791 = tpu.memref_slice %arg5[%dma_start3A_789, %dma_start3A_790] : memref<4x1024xi32, #tpu.memory_space<vmem>> -> memref<1x1024xi32, #tpu.memory_space<vmem>>
      %dma_start3A_792 = tpu.memref_squeeze %dma_start3A_791 : memref<1x1024xi32, #tpu.memory_space<vmem>> -> memref<1024xi32, #tpu.memory_space<vmem>>
      %dma_start3A_793 = tpu.memref_slice %arg3[%add3A_788] : memref<3276800xi32, #tpu.memory_space<hbm>> -> memref<1024xi32, #tpu.memory_space<hbm>>
      %dma_start3A_794 = arith.constant 0 : i32
      %dma_start3A_795 = tpu.memref_slice %arg5[%dma_start3A_789, %dma_start3A_794] : memref<4x1024xi32, #tpu.memory_space<vmem>> -> memref<1x1024xi32, #tpu.memory_space<vmem>>
      %dma_start3A_796 = tpu.memref_squeeze %dma_start3A_795 : memref<1x1024xi32, #tpu.memory_space<vmem>> -> memref<1024xi32, #tpu.memory_space<vmem>>
      %dma_start3A_797 = tpu.memref_slice %arg3[%add3A_788] : memref<3276800xi32, #tpu.memory_space<hbm>> -> memref<1024xi32, #tpu.memory_space<hbm>>
      tpu.enqueue_dma source(%dma_start3A_797 : memref<1024xi32, #tpu.memory_space<hbm>>) target(%dma_start3A_796 : memref<1024xi32, #tpu.memory_space<vmem>>) target_semaphore(%arg7 : memref<!tpu.dma_semaphore, #tpu.memory_space<semaphore_mem>>)
      %mul3A_798 = arith.constant 4 : i32
      %mul3A_799 = arith.muli %scan3A_614, %mul3A_798 : i32
      %add3A_800 = arith.constant 2 : i32
      %add3A_801 = arith.addi %mul3A_799, %add3A_800 : i32
      %sub3A_802 = arith.constant 4 : i32
      %sub3A_803 = arith.subi %add3A_801, %sub3A_802 : i32
      %mul3A_804 = arith.constant 1024 : i32
      %mul3A_805 = arith.muli %sub3A_803, %mul3A_804 : i32
      %add3A_806 = arith.addi %mul3A_2, %mul3A_805 : i32
      %dma_wait3A_807 = arith.constant 2 : i32
      %dma_wait3A_808 = arith.constant 0 : i32
      %dma_wait3A_809 = arith.constant 0 : i32
      %dma_wait3A_810 = tpu.memref_slice %arg6[%dma_wait3A_807, %dma_wait3A_808, %dma_wait3A_809] : memref<4x1024x16xi32, #tpu.memory_space<vmem>> -> memref<1x1024x16xi32, #tpu.memory_space<vmem>>
      %dma_wait3A_811 = tpu.memref_squeeze %dma_wait3A_810 : memref<1x1024x16xi32, #tpu.memory_space<vmem>> -> memref<1024x16xi32, #tpu.memory_space<vmem>>
      %dma_wait3A_812 = arith.constant 0 : i32
      %dma_wait3A_813 = tpu.memref_slice %arg4[%add3A_806, %dma_wait3A_812] : memref<3276800x16xi32, #tpu.memory_space<hbm>> -> memref<1024x16xi32, #tpu.memory_space<hbm>>
      %dma_wait3A_814 = arith.constant 0 : i32
      %dma_wait3A_815 = tpu.memref_slice %arg4[%add3A_806, %dma_wait3A_814] : memref<3276800x16xi32, #tpu.memory_space<hbm>> -> memref<1024x16xi32, #tpu.memory_space<hbm>>
      %dma_wait3A_816 = arith.constant 0 : i32
      %dma_wait3A_817 = arith.constant 0 : i32
      %dma_wait3A_818 = tpu.memref_slice %arg6[%dma_wait3A_807, %dma_wait3A_816, %dma_wait3A_817] : memref<4x1024x16xi32, #tpu.memory_space<vmem>> -> memref<1x1024x16xi32, #tpu.memory_space<vmem>>
      %dma_wait3A_819 = tpu.memref_squeeze %dma_wait3A_818 : memref<1x1024x16xi32, #tpu.memory_space<vmem>> -> memref<1024x16xi32, #tpu.memory_space<vmem>>
      tpu.wait_dma2 semaphore(%arg17 : memref<!tpu.dma_semaphore, #tpu.memory_space<semaphore_mem>>) src(%dma_wait3A_819 : memref<1024x16xi32, #tpu.memory_space<vmem>>) dst(%dma_wait3A_815 : memref<1024x16xi32, #tpu.memory_space<hbm>>)
      %mul3A_820 = arith.constant 1024 : i32
      %mul3A_821 = arith.muli %add3A_801, %mul3A_820 : i32
      %add3A_822 = arith.addi %mul3A_2, %mul3A_821 : i32
      %dma_wait3A_823 = arith.constant 2 : i32
      %dma_wait3A_824 = arith.constant 0 : i32
      %dma_wait3A_825 = tpu.memref_slice %arg5[%dma_wait3A_823, %dma_wait3A_824] : memref<4x1024xi32, #tpu.memory_space<vmem>> -> memref<1x1024xi32, #tpu.memory_space<vmem>>
      %dma_wait3A_826 = tpu.memref_squeeze %dma_wait3A_825 : memref<1x1024xi32, #tpu.memory_space<vmem>> -> memref<1024xi32, #tpu.memory_space<vmem>>
      %dma_wait3A_827 = tpu.memref_slice %arg3[%add3A_822] : memref<3276800xi32, #tpu.memory_space<hbm>> -> memref<1024xi32, #tpu.memory_space<hbm>>
      %dma_wait3A_828 = arith.constant 0 : i32
      %dma_wait3A_829 = tpu.memref_slice %arg5[%dma_wait3A_823, %dma_wait3A_828] : memref<4x1024xi32, #tpu.memory_space<vmem>> -> memref<1x1024xi32, #tpu.memory_space<vmem>>
      %dma_wait3A_830 = tpu.memref_squeeze %dma_wait3A_829 : memref<1x1024xi32, #tpu.memory_space<vmem>> -> memref<1024xi32, #tpu.memory_space<vmem>>
      %dma_wait3A_831 = tpu.memref_slice %arg3[%add3A_822] : memref<3276800xi32, #tpu.memory_space<hbm>> -> memref<1024xi32, #tpu.memory_space<hbm>>
      tpu.wait_dma2 semaphore(%arg9 : memref<!tpu.dma_semaphore, #tpu.memory_space<semaphore_mem>>) src(%dma_wait3A_831 : memref<1024xi32, #tpu.memory_space<hbm>>) dst(%dma_wait3A_830 : memref<1024xi32, #tpu.memory_space<vmem>>)
      %dma_start3A_832 = arith.constant 2 : i32
      %dma_start3A_833 = arith.constant 2 : i32
      %dma_start3A_834 = arith.constant 0 : i32
      %dma_start3A_835 = arith.constant 0 : i32
      %dma_start3A_836 = tpu.memref_slice %arg6[%dma_start3A_833, %dma_start3A_834, %dma_start3A_835] : memref<4x1024x16xi32, #tpu.memory_space<vmem>> -> memref<1x1024x16xi32, #tpu.memory_space<vmem>>
      %dma_start3A_837 = tpu.memref_squeeze %dma_start3A_836 : memref<1x1024x16xi32, #tpu.memory_space<vmem>> -> memref<1024x16xi32, #tpu.memory_space<vmem>>
      %dma_start3A_838 = arith.constant 0 : i32
      %dma_start3A_839 = tpu.memref_slice %arg5[%dma_start3A_832, %dma_start3A_838] : memref<4x1024xi32, #tpu.memory_space<vmem>> -> memref<1x1024xi32, #tpu.memory_space<vmem>>
      %dma_start3A_840 = tpu.memref_squeeze %dma_start3A_839 : memref<1x1024xi32, #tpu.memory_space<vmem>> -> memref<1024xi32, #tpu.memory_space<vmem>>
      %dma_start3A_841 = arith.constant 0 : i32
      %dma_start3A_842 = arith.constant 0 : i32
      %dma_start3A_843 = tpu.memref_slice %arg2[%dma_start3A_841, %dma_start3A_842] : memref<1000000x16xi32, #tpu.memory_space<hbm>> -> memref<1000000x16xi32, #tpu.memory_space<hbm>>
      tpu.enqueue_indirect_dma source(%dma_start3A_843 : memref<1000000x16xi32, #tpu.memory_space<hbm>>) target(%dma_start3A_837 : memref<1024x16xi32, #tpu.memory_space<vmem>>) offsets(%dma_start3A_840 : memref<1024xi32, #tpu.memory_space<vmem>>) semaphore(%arg13 : memref<!tpu.dma_semaphore, #tpu.memory_space<semaphore_mem>>)
      %dma_wait3A_844 = arith.constant 1 : i32
      %dma_wait3A_845 = arith.constant 1 : i32
      %dma_wait3A_846 = arith.constant 0 : i32
      %dma_wait3A_847 = arith.constant 0 : i32
      %dma_wait3A_848 = tpu.memref_slice %arg6[%dma_wait3A_845, %dma_wait3A_846, %dma_wait3A_847] : memref<4x1024x16xi32, #tpu.memory_space<vmem>> -> memref<1x1024x16xi32, #tpu.memory_space<vmem>>
      %dma_wait3A_849 = tpu.memref_squeeze %dma_wait3A_848 : memref<1x1024x16xi32, #tpu.memory_space<vmem>> -> memref<1024x16xi32, #tpu.memory_space<vmem>>
      %dma_wait3A_850 = arith.constant 0 : i32
      %dma_wait3A_851 = tpu.memref_slice %arg5[%dma_wait3A_844, %dma_wait3A_850] : memref<4x1024xi32, #tpu.memory_space<vmem>> -> memref<1x1024xi32, #tpu.memory_space<vmem>>
      %dma_wait3A_852 = tpu.memref_squeeze %dma_wait3A_851 : memref<1x1024xi32, #tpu.memory_space<vmem>> -> memref<1024xi32, #tpu.memory_space<vmem>>
      %dma_wait3A_853 = arith.constant 0 : i32
      %dma_wait3A_854 = arith.constant 0 : i32
      %dma_wait3A_855 = tpu.memref_slice %arg2[%dma_wait3A_853, %dma_wait3A_854] : memref<1000000x16xi32, #tpu.memory_space<hbm>> -> memref<1000000x16xi32, #tpu.memory_space<hbm>>
      tpu.wait_indirect_dma semaphore(%arg12 : memref<!tpu.dma_semaphore, #tpu.memory_space<semaphore_mem>>) src(%dma_wait3A_855 : memref<1000000x16xi32, #tpu.memory_space<hbm>>) dst(%dma_wait3A_849 : memref<1024x16xi32, #tpu.memory_space<vmem>>)
      %sub3A_856 = arith.constant 1 : i32
      %sub3A_857 = arith.subi %add3A_801, %sub3A_856 : i32
      %mul3A_858 = arith.constant 1024 : i32
      %mul3A_859 = arith.muli %sub3A_857, %mul3A_858 : i32
      %add3A_860 = arith.addi %mul3A_2, %mul3A_859 : i32
      %dma_start3A_861 = arith.constant 1 : i32
      %dma_start3A_862 = arith.constant 0 : i32
      %dma_start3A_863 = arith.constant 0 : i32
      %dma_start3A_864 = tpu.memref_slice %arg6[%dma_start3A_861, %dma_start3A_862, %dma_start3A_863] : memref<4x1024x16xi32, #tpu.memory_space<vmem>> -> memref<1x1024x16xi32, #tpu.memory_space<vmem>>
      %dma_start3A_865 = tpu.memref_squeeze %dma_start3A_864 : memref<1x1024x16xi32, #tpu.memory_space<vmem>> -> memref<1024x16xi32, #tpu.memory_space<vmem>>
      %dma_start3A_866 = arith.constant 0 : i32
      %dma_start3A_867 = tpu.memref_slice %arg4[%add3A_860, %dma_start3A_866] : memref<3276800x16xi32, #tpu.memory_space<hbm>> -> memref<1024x16xi32, #tpu.memory_space<hbm>>
      %dma_start3A_868 = arith.constant 0 : i32
      %dma_start3A_869 = tpu.memref_slice %arg4[%add3A_860, %dma_start3A_868] : memref<3276800x16xi32, #tpu.memory_space<hbm>> -> memref<1024x16xi32, #tpu.memory_space<hbm>>
      %dma_start3A_870 = arith.constant 0 : i32
      %dma_start3A_871 = arith.constant 0 : i32
      %dma_start3A_872 = tpu.memref_slice %arg6[%dma_start3A_861, %dma_start3A_870, %dma_start3A_871] : memref<4x1024x16xi32, #tpu.memory_space<vmem>> -> memref<1x1024x16xi32, #tpu.memory_space<vmem>>
      %dma_start3A_873 = tpu.memref_squeeze %dma_start3A_872 : memref<1x1024x16xi32, #tpu.memory_space<vmem>> -> memref<1024x16xi32, #tpu.memory_space<vmem>>
      tpu.enqueue_dma source(%dma_start3A_873 : memref<1024x16xi32, #tpu.memory_space<vmem>>) target(%dma_start3A_869 : memref<1024x16xi32, #tpu.memory_space<hbm>>) target_semaphore(%arg16 : memref<!tpu.dma_semaphore, #tpu.memory_space<semaphore_mem>>)
      %add3A_874 = arith.constant 4 : i32
      %add3A_875 = arith.addi %add3A_801, %add3A_874 : i32
      %sub3A_876 = arith.constant 1 : i32
      %sub3A_877 = arith.subi %add3A_875, %sub3A_876 : i32
      %mul3A_878 = arith.constant 1024 : i32
      %mul3A_879 = arith.muli %sub3A_877, %mul3A_878 : i32
      %add3A_880 = arith.addi %mul3A_2, %mul3A_879 : i32
      %dma_start3A_881 = arith.constant 1 : i32
      %dma_start3A_882 = arith.constant 0 : i32
      %dma_start3A_883 = tpu.memref_slice %arg5[%dma_start3A_881, %dma_start3A_882] : memref<4x1024xi32, #tpu.memory_space<vmem>> -> memref<1x1024xi32, #tpu.memory_space<vmem>>
      %dma_start3A_884 = tpu.memref_squeeze %dma_start3A_883 : memref<1x1024xi32, #tpu.memory_space<vmem>> -> memref<1024xi32, #tpu.memory_space<vmem>>
      %dma_start3A_885 = tpu.memref_slice %arg3[%add3A_880] : memref<3276800xi32, #tpu.memory_space<hbm>> -> memref<1024xi32, #tpu.memory_space<hbm>>
      %dma_start3A_886 = arith.constant 0 : i32
      %dma_start3A_887 = tpu.memref_slice %arg5[%dma_start3A_881, %dma_start3A_886] : memref<4x1024xi32, #tpu.memory_space<vmem>> -> memref<1x1024xi32, #tpu.memory_space<vmem>>
      %dma_start3A_888 = tpu.memref_squeeze %dma_start3A_887 : memref<1x1024xi32, #tpu.memory_space<vmem>> -> memref<1024xi32, #tpu.memory_space<vmem>>
      %dma_start3A_889 = tpu.memref_slice %arg3[%add3A_880] : memref<3276800xi32, #tpu.memory_space<hbm>> -> memref<1024xi32, #tpu.memory_space<hbm>>
      tpu.enqueue_dma source(%dma_start3A_889 : memref<1024xi32, #tpu.memory_space<hbm>>) target(%dma_start3A_888 : memref<1024xi32, #tpu.memory_space<vmem>>) target_semaphore(%arg8 : memref<!tpu.dma_semaphore, #tpu.memory_space<semaphore_mem>>)
      %mul3A_890 = arith.constant 4 : i32
      %mul3A_891 = arith.muli %scan3A_614, %mul3A_890 : i32
      %add3A_892 = arith.constant 3 : i32
      %add3A_893 = arith.addi %mul3A_891, %add3A_892 : i32
      %sub3A_894 = arith.constant 4 : i32
      %sub3A_895 = arith.subi %add3A_893, %sub3A_894 : i32
      %mul3A_896 = arith.constant 1024 : i32
      %mul3A_897 = arith.muli %sub3A_895, %mul3A_896 : i32
      %add3A_898 = arith.addi %mul3A_2, %mul3A_897 : i32
      %dma_wait3A_899 = arith.constant 3 : i32
      %dma_wait3A_900 = arith.constant 0 : i32
      %dma_wait3A_901 = arith.constant 0 : i32
      %dma_wait3A_902 = tpu.memref_slice %arg6[%dma_wait3A_899, %dma_wait3A_900, %dma_wait3A_901] : memref<4x1024x16xi32, #tpu.memory_space<vmem>> -> memref<1x1024x16xi32, #tpu.memory_space<vmem>>
      %dma_wait3A_903 = tpu.memref_squeeze %dma_wait3A_902 : memref<1x1024x16xi32, #tpu.memory_space<vmem>> -> memref<1024x16xi32, #tpu.memory_space<vmem>>
      %dma_wait3A_904 = arith.constant 0 : i32
      %dma_wait3A_905 = tpu.memref_slice %arg4[%add3A_898, %dma_wait3A_904] : memref<3276800x16xi32, #tpu.memory_space<hbm>> -> memref<1024x16xi32, #tpu.memory_space<hbm>>
      %dma_wait3A_906 = arith.constant 0 : i32
      %dma_wait3A_907 = tpu.memref_slice %arg4[%add3A_898, %dma_wait3A_906] : memref<3276800x16xi32, #tpu.memory_space<hbm>> -> memref<1024x16xi32, #tpu.memory_space<hbm>>
      %dma_wait3A_908 = arith.constant 0 : i32
      %dma_wait3A_909 = arith.constant 0 : i32
      %dma_wait3A_910 = tpu.memref_slice %arg6[%dma_wait3A_899, %dma_wait3A_908, %dma_wait3A_909] : memref<4x1024x16xi32, #tpu.memory_space<vmem>> -> memref<1x1024x16xi32, #tpu.memory_space<vmem>>
      %dma_wait3A_911 = tpu.memref_squeeze %dma_wait3A_910 : memref<1x1024x16xi32, #tpu.memory_space<vmem>> -> memref<1024x16xi32, #tpu.memory_space<vmem>>
      tpu.wait_dma2 semaphore(%arg18 : memref<!tpu.dma_semaphore, #tpu.memory_space<semaphore_mem>>) src(%dma_wait3A_911 : memref<1024x16xi32, #tpu.memory_space<vmem>>) dst(%dma_wait3A_907 : memref<1024x16xi32, #tpu.memory_space<hbm>>)
      %mul3A_912 = arith.constant 1024 : i32
      %mul3A_913 = arith.muli %add3A_893, %mul3A_912 : i32
      %add3A_914 = arith.addi %mul3A_2, %mul3A_913 : i32
      %dma_wait3A_915 = arith.constant 3 : i32
      %dma_wait3A_916 = arith.constant 0 : i32
      %dma_wait3A_917 = tpu.memref_slice %arg5[%dma_wait3A_915, %dma_wait3A_916] : memref<4x1024xi32, #tpu.memory_space<vmem>> -> memref<1x1024xi32, #tpu.memory_space<vmem>>
      %dma_wait3A_918 = tpu.memref_squeeze %dma_wait3A_917 : memref<1x1024xi32, #tpu.memory_space<vmem>> -> memref<1024xi32, #tpu.memory_space<vmem>>
      %dma_wait3A_919 = tpu.memref_slice %arg3[%add3A_914] : memref<3276800xi32, #tpu.memory_space<hbm>> -> memref<1024xi32, #tpu.memory_space<hbm>>
      %dma_wait3A_920 = arith.constant 0 : i32
      %dma_wait3A_921 = tpu.memref_slice %arg5[%dma_wait3A_915, %dma_wait3A_920] : memref<4x1024xi32, #tpu.memory_space<vmem>> -> memref<1x1024xi32, #tpu.memory_space<vmem>>
      %dma_wait3A_922 = tpu.memref_squeeze %dma_wait3A_921 : memref<1x1024xi32, #tpu.memory_space<vmem>> -> memref<1024xi32, #tpu.memory_space<vmem>>
      %dma_wait3A_923 = tpu.memref_slice %arg3[%add3A_914] : memref<3276800xi32, #tpu.memory_space<hbm>> -> memref<1024xi32, #tpu.memory_space<hbm>>
      tpu.wait_dma2 semaphore(%arg10 : memref<!tpu.dma_semaphore, #tpu.memory_space<semaphore_mem>>) src(%dma_wait3A_923 : memref<1024xi32, #tpu.memory_space<hbm>>) dst(%dma_wait3A_922 : memref<1024xi32, #tpu.memory_space<vmem>>)
      %dma_start3A_924 = arith.constant 3 : i32
      %dma_start3A_925 = arith.constant 3 : i32
      %dma_start3A_926 = arith.constant 0 : i32
      %dma_start3A_927 = arith.constant 0 : i32
      %dma_start3A_928 = tpu.memref_slice %arg6[%dma_start3A_925, %dma_start3A_926, %dma_start3A_927] : memref<4x1024x16xi32, #tpu.memory_space<vmem>> -> memref<1x1024x16xi32, #tpu.memory_space<vmem>>
      %dma_start3A_929 = tpu.memref_squeeze %dma_start3A_928 : memref<1x1024x16xi32, #tpu.memory_space<vmem>> -> memref<1024x16xi32, #tpu.memory_space<vmem>>
      %dma_start3A_930 = arith.constant 0 : i32
      %dma_start3A_931 = tpu.memref_slice %arg5[%dma_start3A_924, %dma_start3A_930] : memref<4x1024xi32, #tpu.memory_space<vmem>> -> memref<1x1024xi32, #tpu.memory_space<vmem>>
      %dma_start3A_932 = tpu.memref_squeeze %dma_start3A_931 : memref<1x1024xi32, #tpu.memory_space<vmem>> -> memref<1024xi32, #tpu.memory_space<vmem>>
      %dma_start3A_933 = arith.constant 0 : i32
      %dma_start3A_934 = arith.constant 0 : i32
      %dma_start3A_935 = tpu.memref_slice %arg2[%dma_start3A_933, %dma_start3A_934] : memref<1000000x16xi32, #tpu.memory_space<hbm>> -> memref<1000000x16xi32, #tpu.memory_space<hbm>>
      tpu.enqueue_indirect_dma source(%dma_start3A_935 : memref<1000000x16xi32, #tpu.memory_space<hbm>>) target(%dma_start3A_929 : memref<1024x16xi32, #tpu.memory_space<vmem>>) offsets(%dma_start3A_932 : memref<1024xi32, #tpu.memory_space<vmem>>) semaphore(%arg14 : memref<!tpu.dma_semaphore, #tpu.memory_space<semaphore_mem>>)
      %dma_wait3A_936 = arith.constant 2 : i32
      %dma_wait3A_937 = arith.constant 2 : i32
      %dma_wait3A_938 = arith.constant 0 : i32
      %dma_wait3A_939 = arith.constant 0 : i32
      %dma_wait3A_940 = tpu.memref_slice %arg6[%dma_wait3A_937, %dma_wait3A_938, %dma_wait3A_939] : memref<4x1024x16xi32, #tpu.memory_space<vmem>> -> memref<1x1024x16xi32, #tpu.memory_space<vmem>>
      %dma_wait3A_941 = tpu.memref_squeeze %dma_wait3A_940 : memref<1x1024x16xi32, #tpu.memory_space<vmem>> -> memref<1024x16xi32, #tpu.memory_space<vmem>>
      %dma_wait3A_942 = arith.constant 0 : i32
      %dma_wait3A_943 = tpu.memref_slice %arg5[%dma_wait3A_936, %dma_wait3A_942] : memref<4x1024xi32, #tpu.memory_space<vmem>> -> memref<1x1024xi32, #tpu.memory_space<vmem>>
      %dma_wait3A_944 = tpu.memref_squeeze %dma_wait3A_943 : memref<1x1024xi32, #tpu.memory_space<vmem>> -> memref<1024xi32, #tpu.memory_space<vmem>>
      %dma_wait3A_945 = arith.constant 0 : i32
      %dma_wait3A_946 = arith.constant 0 : i32
      %dma_wait3A_947 = tpu.memref_slice %arg2[%dma_wait3A_945, %dma_wait3A_946] : memref<1000000x16xi32, #tpu.memory_space<hbm>> -> memref<1000000x16xi32, #tpu.memory_space<hbm>>
      tpu.wait_indirect_dma semaphore(%arg13 : memref<!tpu.dma_semaphore, #tpu.memory_space<semaphore_mem>>) src(%dma_wait3A_947 : memref<1000000x16xi32, #tpu.memory_space<hbm>>) dst(%dma_wait3A_941 : memref<1024x16xi32, #tpu.memory_space<vmem>>)
      %sub3A_948 = arith.constant 1 : i32
      %sub3A_949 = arith.subi %add3A_893, %sub3A_948 : i32
      %mul3A_950 = arith.constant 1024 : i32
      %mul3A_951 = arith.muli %sub3A_949, %mul3A_950 : i32
      %add3A_952 = arith.addi %mul3A_2, %mul3A_951 : i32
      %dma_start3A_953 = arith.constant 2 : i32
      %dma_start3A_954 = arith.constant 0 : i32
      %dma_start3A_955 = arith.constant 0 : i32
      %dma_start3A_956 = tpu.memref_slice %arg6[%dma_start3A_953, %dma_start3A_954, %dma_start3A_955] : memref<4x1024x16xi32, #tpu.memory_space<vmem>> -> memref<1x1024x16xi32, #tpu.memory_space<vmem>>
      %dma_start3A_957 = tpu.memref_squeeze %dma_start3A_956 : memref<1x1024x16xi32, #tpu.memory_space<vmem>> -> memref<1024x16xi32, #tpu.memory_space<vmem>>
      %dma_start3A_958 = arith.constant 0 : i32
      %dma_start3A_959 = tpu.memref_slice %arg4[%add3A_952, %dma_start3A_958] : memref<3276800x16xi32, #tpu.memory_space<hbm>> -> memref<1024x16xi32, #tpu.memory_space<hbm>>
      %dma_start3A_960 = arith.constant 0 : i32
      %dma_start3A_961 = tpu.memref_slice %arg4[%add3A_952, %dma_start3A_960] : memref<3276800x16xi32, #tpu.memory_space<hbm>> -> memref<1024x16xi32, #tpu.memory_space<hbm>>
      %dma_start3A_962 = arith.constant 0 : i32
      %dma_start3A_963 = arith.constant 0 : i32
      %dma_start3A_964 = tpu.memref_slice %arg6[%dma_start3A_953, %dma_start3A_962, %dma_start3A_963] : memref<4x1024x16xi32, #tpu.memory_space<vmem>> -> memref<1x1024x16xi32, #tpu.memory_space<vmem>>
      %dma_start3A_965 = tpu.memref_squeeze %dma_start3A_964 : memref<1x1024x16xi32, #tpu.memory_space<vmem>> -> memref<1024x16xi32, #tpu.memory_space<vmem>>
      tpu.enqueue_dma source(%dma_start3A_965 : memref<1024x16xi32, #tpu.memory_space<vmem>>) target(%dma_start3A_961 : memref<1024x16xi32, #tpu.memory_space<hbm>>) target_semaphore(%arg17 : memref<!tpu.dma_semaphore, #tpu.memory_space<semaphore_mem>>)
      %add3A_966 = arith.constant 4 : i32
      %add3A_967 = arith.addi %add3A_893, %add3A_966 : i32
      %sub3A_968 = arith.constant 1 : i32
      %sub3A_969 = arith.subi %add3A_967, %sub3A_968 : i32
      %mul3A_970 = arith.constant 1024 : i32
      %mul3A_971 = arith.muli %sub3A_969, %mul3A_970 : i32
      %add3A_972 = arith.addi %mul3A_2, %mul3A_971 : i32
      %dma_start3A_973 = arith.constant 2 : i32
      %dma_start3A_974 = arith.constant 0 : i32
      %dma_start3A_975 = tpu.memref_slice %arg5[%dma_start3A_973, %dma_start3A_974] : memref<4x1024xi32, #tpu.memory_space<vmem>> -> memref<1x1024xi32, #tpu.memory_space<vmem>>
      %dma_start3A_976 = tpu.memref_squeeze %dma_start3A_975 : memref<1x1024xi32, #tpu.memory_space<vmem>> -> memref<1024xi32, #tpu.memory_space<vmem>>
      %dma_start3A_977 = tpu.memref_slice %arg3[%add3A_972] : memref<3276800xi32, #tpu.memory_space<hbm>> -> memref<1024xi32, #tpu.memory_space<hbm>>
      %dma_start3A_978 = arith.constant 0 : i32
      %dma_start3A_979 = tpu.memref_slice %arg5[%dma_start3A_973, %dma_start3A_978] : memref<4x1024xi32, #tpu.memory_space<vmem>> -> memref<1x1024xi32, #tpu.memory_space<vmem>>
      %dma_start3A_980 = tpu.memref_squeeze %dma_start3A_979 : memref<1x1024xi32, #tpu.memory_space<vmem>> -> memref<1024xi32, #tpu.memory_space<vmem>>
      %dma_start3A_981 = tpu.memref_slice %arg3[%add3A_972] : memref<3276800xi32, #tpu.memory_space<hbm>> -> memref<1024xi32, #tpu.memory_space<hbm>>
      tpu.enqueue_dma source(%dma_start3A_981 : memref<1024xi32, #tpu.memory_space<hbm>>) target(%dma_start3A_980 : memref<1024xi32, #tpu.memory_space<vmem>>) target_semaphore(%arg9 : memref<!tpu.dma_semaphore, #tpu.memory_space<semaphore_mem>>)
    }
    %scan3A_255 = arith.constant 23 : i32
    %add3A_256 = arith.constant 94208 : i32
    %add3A_257 = arith.addi %mul3A_2, %add3A_256 : i32
    %dma_wait3A_258 = arith.constant 0 : i32
    %dma_wait3A_259 = arith.constant 0 : i32
    %dma_wait3A_260 = arith.constant 0 : i32
    %dma_wait3A_261 = tpu.memref_slice %arg6[%dma_wait3A_258, %dma_wait3A_259, %dma_wait3A_260] : memref<4x1024x16xi32, #tpu.memory_space<vmem>> -> memref<1x1024x16xi32, #tpu.memory_space<vmem>>
    %dma_wait3A_262 = tpu.memref_squeeze %dma_wait3A_261 : memref<1x1024x16xi32, #tpu.memory_space<vmem>> -> memref<1024x16xi32, #tpu.memory_space<vmem>>
    %dma_wait3A_263 = arith.constant 0 : i32
    %dma_wait3A_264 = tpu.memref_slice %arg4[%add3A_257, %dma_wait3A_263] : memref<3276800x16xi32, #tpu.memory_space<hbm>> -> memref<1024x16xi32, #tpu.memory_space<hbm>>
    %dma_wait3A_265 = arith.constant 0 : i32
    %dma_wait3A_266 = tpu.memref_slice %arg4[%add3A_257, %dma_wait3A_265] : memref<3276800x16xi32, #tpu.memory_space<hbm>> -> memref<1024x16xi32, #tpu.memory_space<hbm>>
    %dma_wait3A_267 = arith.constant 0 : i32
    %dma_wait3A_268 = arith.constant 0 : i32
    %dma_wait3A_269 = tpu.memref_slice %arg6[%dma_wait3A_258, %dma_wait3A_267, %dma_wait3A_268] : memref<4x1024x16xi32, #tpu.memory_space<vmem>> -> memref<1x1024x16xi32, #tpu.memory_space<vmem>>
    %dma_wait3A_270 = tpu.memref_squeeze %dma_wait3A_269 : memref<1x1024x16xi32, #tpu.memory_space<vmem>> -> memref<1024x16xi32, #tpu.memory_space<vmem>>
    tpu.wait_dma2 semaphore(%arg15 : memref<!tpu.dma_semaphore, #tpu.memory_space<semaphore_mem>>) src(%dma_wait3A_270 : memref<1024x16xi32, #tpu.memory_space<vmem>>) dst(%dma_wait3A_266 : memref<1024x16xi32, #tpu.memory_space<hbm>>)
    %add3A_271 = arith.constant 98304 : i32
    %add3A_272 = arith.addi %mul3A_2, %add3A_271 : i32
    %dma_wait3A_273 = arith.constant 0 : i32
    %dma_wait3A_274 = arith.constant 0 : i32
    %dma_wait3A_275 = tpu.memref_slice %arg5[%dma_wait3A_273, %dma_wait3A_274] : memref<4x1024xi32, #tpu.memory_space<vmem>> -> memref<1x1024xi32, #tpu.memory_space<vmem>>
    %dma_wait3A_276 = tpu.memref_squeeze %dma_wait3A_275 : memref<1x1024xi32, #tpu.memory_space<vmem>> -> memref<1024xi32, #tpu.memory_space<vmem>>
    %dma_wait3A_277 = tpu.memref_slice %arg3[%add3A_272] : memref<3276800xi32, #tpu.memory_space<hbm>> -> memref<1024xi32, #tpu.memory_space<hbm>>
    %dma_wait3A_278 = arith.constant 0 : i32
    %dma_wait3A_279 = tpu.memref_slice %arg5[%dma_wait3A_273, %dma_wait3A_278] : memref<4x1024xi32, #tpu.memory_space<vmem>> -> memref<1x1024xi32, #tpu.memory_space<vmem>>
    %dma_wait3A_280 = tpu.memref_squeeze %dma_wait3A_279 : memref<1x1024xi32, #tpu.memory_space<vmem>> -> memref<1024xi32, #tpu.memory_space<vmem>>
    %dma_wait3A_281 = tpu.memref_slice %arg3[%add3A_272] : memref<3276800xi32, #tpu.memory_space<hbm>> -> memref<1024xi32, #tpu.memory_space<hbm>>
    tpu.wait_dma2 semaphore(%arg7 : memref<!tpu.dma_semaphore, #tpu.memory_space<semaphore_mem>>) src(%dma_wait3A_281 : memref<1024xi32, #tpu.memory_space<hbm>>) dst(%dma_wait3A_280 : memref<1024xi32, #tpu.memory_space<vmem>>)
    %dma_start3A_282 = arith.constant 0 : i32
    %dma_start3A_283 = arith.constant 0 : i32
    %dma_start3A_284 = arith.constant 0 : i32
    %dma_start3A_285 = arith.constant 0 : i32
    %dma_start3A_286 = tpu.memref_slice %arg6[%dma_start3A_283, %dma_start3A_284, %dma_start3A_285] : memref<4x1024x16xi32, #tpu.memory_space<vmem>> -> memref<1x1024x16xi32, #tpu.memory_space<vmem>>
    %dma_start3A_287 = tpu.memref_squeeze %dma_start3A_286 : memref<1x1024x16xi32, #tpu.memory_space<vmem>> -> memref<1024x16xi32, #tpu.memory_space<vmem>>
    %dma_start3A_288 = arith.constant 0 : i32
    %dma_start3A_289 = tpu.memref_slice %arg5[%dma_start3A_282, %dma_start3A_288] : memref<4x1024xi32, #tpu.memory_space<vmem>> -> memref<1x1024xi32, #tpu.memory_space<vmem>>
    %dma_start3A_290 = tpu.memref_squeeze %dma_start3A_289 : memref<1x1024xi32, #tpu.memory_space<vmem>> -> memref<1024xi32, #tpu.memory_space<vmem>>
    %dma_start3A_291 = arith.constant 0 : i32
    %dma_start3A_292 = arith.constant 0 : i32
    %dma_start3A_293 = tpu.memref_slice %arg2[%dma_start3A_291, %dma_start3A_292] : memref<1000000x16xi32, #tpu.memory_space<hbm>> -> memref<1000000x16xi32, #tpu.memory_space<hbm>>
    tpu.enqueue_indirect_dma source(%dma_start3A_293 : memref<1000000x16xi32, #tpu.memory_space<hbm>>) target(%dma_start3A_287 : memref<1024x16xi32, #tpu.memory_space<vmem>>) offsets(%dma_start3A_290 : memref<1024xi32, #tpu.memory_space<vmem>>) semaphore(%arg11 : memref<!tpu.dma_semaphore, #tpu.memory_space<semaphore_mem>>)
    %dma_wait3A_294 = arith.constant 3 : i32
    %dma_wait3A_295 = arith.constant 3 : i32
    %dma_wait3A_296 = arith.constant 0 : i32
    %dma_wait3A_297 = arith.constant 0 : i32
    %dma_wait3A_298 = tpu.memref_slice %arg6[%dma_wait3A_295, %dma_wait3A_296, %dma_wait3A_297] : memref<4x1024x16xi32, #tpu.memory_space<vmem>> -> memref<1x1024x16xi32, #tpu.memory_space<vmem>>
    %dma_wait3A_299 = tpu.memref_squeeze %dma_wait3A_298 : memref<1x1024x16xi32, #tpu.memory_space<vmem>> -> memref<1024x16xi32, #tpu.memory_space<vmem>>
    %dma_wait3A_300 = arith.constant 0 : i32
    %dma_wait3A_301 = tpu.memref_slice %arg5[%dma_wait3A_294, %dma_wait3A_300] : memref<4x1024xi32, #tpu.memory_space<vmem>> -> memref<1x1024xi32, #tpu.memory_space<vmem>>
    %dma_wait3A_302 = tpu.memref_squeeze %dma_wait3A_301 : memref<1x1024xi32, #tpu.memory_space<vmem>> -> memref<1024xi32, #tpu.memory_space<vmem>>
    %dma_wait3A_303 = arith.constant 0 : i32
    %dma_wait3A_304 = arith.constant 0 : i32
    %dma_wait3A_305 = tpu.memref_slice %arg2[%dma_wait3A_303, %dma_wait3A_304] : memref<1000000x16xi32, #tpu.memory_space<hbm>> -> memref<1000000x16xi32, #tpu.memory_space<hbm>>
    tpu.wait_indirect_dma semaphore(%arg14 : memref<!tpu.dma_semaphore, #tpu.memory_space<semaphore_mem>>) src(%dma_wait3A_305 : memref<1000000x16xi32, #tpu.memory_space<hbm>>) dst(%dma_wait3A_299 : memref<1024x16xi32, #tpu.memory_space<vmem>>)
    %add3A_306 = arith.constant 97280 : i32
    %add3A_307 = arith.addi %mul3A_2, %add3A_306 : i32
    %dma_start3A_308 = arith.constant 3 : i32
    %dma_start3A_309 = arith.constant 0 : i32
    %dma_start3A_310 = arith.constant 0 : i32
    %dma_start3A_311 = tpu.memref_slice %arg6[%dma_start3A_308, %dma_start3A_309, %dma_start3A_310] : memref<4x1024x16xi32, #tpu.memory_space<vmem>> -> memref<1x1024x16xi32, #tpu.memory_space<vmem>>
    %dma_start3A_312 = tpu.memref_squeeze %dma_start3A_311 : memref<1x1024x16xi32, #tpu.memory_space<vmem>> -> memref<1024x16xi32, #tpu.memory_space<vmem>>
    %dma_start3A_313 = arith.constant 0 : i32
    %dma_start3A_314 = tpu.memref_slice %arg4[%add3A_307, %dma_start3A_313] : memref<3276800x16xi32, #tpu.memory_space<hbm>> -> memref<1024x16xi32, #tpu.memory_space<hbm>>
    %dma_start3A_315 = arith.constant 0 : i32
    %dma_start3A_316 = tpu.memref_slice %arg4[%add3A_307, %dma_start3A_315] : memref<3276800x16xi32, #tpu.memory_space<hbm>> -> memref<1024x16xi32, #tpu.memory_space<hbm>>
    %dma_start3A_317 = arith.constant 0 : i32
    %dma_start3A_318 = arith.constant 0 : i32
    %dma_start3A_319 = tpu.memref_slice %arg6[%dma_start3A_308, %dma_start3A_317, %dma_start3A_318] : memref<4x1024x16xi32, #tpu.memory_space<vmem>> -> memref<1x1024x16xi32, #tpu.memory_space<vmem>>
    %dma_start3A_320 = tpu.memref_squeeze %dma_start3A_319 : memref<1x1024x16xi32, #tpu.memory_space<vmem>> -> memref<1024x16xi32, #tpu.memory_space<vmem>>
    tpu.enqueue_dma source(%dma_start3A_320 : memref<1024x16xi32, #tpu.memory_space<vmem>>) target(%dma_start3A_316 : memref<1024x16xi32, #tpu.memory_space<hbm>>) target_semaphore(%arg18 : memref<!tpu.dma_semaphore, #tpu.memory_space<semaphore_mem>>)
    %add3A_321 = arith.constant 101376 : i32
    %add3A_322 = arith.addi %mul3A_2, %add3A_321 : i32
    %dma_start3A_323 = arith.constant 3 : i32
    %dma_start3A_324 = arith.constant 0 : i32
    %dma_start3A_325 = tpu.memref_slice %arg5[%dma_start3A_323, %dma_start3A_324] : memref<4x1024xi32, #tpu.memory_space<vmem>> -> memref<1x1024xi32, #tpu.memory_space<vmem>>
    %dma_start3A_326 = tpu.memref_squeeze %dma_start3A_325 : memref<1x1024xi32, #tpu.memory_space<vmem>> -> memref<1024xi32, #tpu.memory_space<vmem>>
    %dma_start3A_327 = tpu.memref_slice %arg3[%add3A_322] : memref<3276800xi32, #tpu.memory_space<hbm>> -> memref<1024xi32, #tpu.memory_space<hbm>>
    %dma_start3A_328 = arith.constant 0 : i32
    %dma_start3A_329 = tpu.memref_slice %arg5[%dma_start3A_323, %dma_start3A_328] : memref<4x1024xi32, #tpu.memory_space<vmem>> -> memref<1x1024xi32, #tpu.memory_space<vmem>>
    %dma_start3A_330 = tpu.memref_squeeze %dma_start3A_329 : memref<1x1024xi32, #tpu.memory_space<vmem>> -> memref<1024xi32, #tpu.memory_space<vmem>>
    %dma_start3A_331 = tpu.memref_slice %arg3[%add3A_322] : memref<3276800xi32, #tpu.memory_space<hbm>> -> memref<1024xi32, #tpu.memory_space<hbm>>
    tpu.enqueue_dma source(%dma_start3A_331 : memref<1024xi32, #tpu.memory_space<hbm>>) target(%dma_start3A_330 : memref<1024xi32, #tpu.memory_space<vmem>>) target_semaphore(%arg10 : memref<!tpu.dma_semaphore, #tpu.memory_space<semaphore_mem>>)
    %add3A_332 = arith.constant 95232 : i32
    %add3A_333 = arith.addi %mul3A_2, %add3A_332 : i32
    %dma_wait3A_334 = arith.constant 1 : i32
    %dma_wait3A_335 = arith.constant 0 : i32
    %dma_wait3A_336 = arith.constant 0 : i32
    %dma_wait3A_337 = tpu.memref_slice %arg6[%dma_wait3A_334, %dma_wait3A_335, %dma_wait3A_336] : memref<4x1024x16xi32, #tpu.memory_space<vmem>> -> memref<1x1024x16xi32, #tpu.memory_space<vmem>>
    %dma_wait3A_338 = tpu.memref_squeeze %dma_wait3A_337 : memref<1x1024x16xi32, #tpu.memory_space<vmem>> -> memref<1024x16xi32, #tpu.memory_space<vmem>>
    %dma_wait3A_339 = arith.constant 0 : i32
    %dma_wait3A_340 = tpu.memref_slice %arg4[%add3A_333, %dma_wait3A_339] : memref<3276800x16xi32, #tpu.memory_space<hbm>> -> memref<1024x16xi32, #tpu.memory_space<hbm>>
    %dma_wait3A_341 = arith.constant 0 : i32
    %dma_wait3A_342 = tpu.memref_slice %arg4[%add3A_333, %dma_wait3A_341] : memref<3276800x16xi32, #tpu.memory_space<hbm>> -> memref<1024x16xi32, #tpu.memory_space<hbm>>
    %dma_wait3A_343 = arith.constant 0 : i32
    %dma_wait3A_344 = arith.constant 0 : i32
    %dma_wait3A_345 = tpu.memref_slice %arg6[%dma_wait3A_334, %dma_wait3A_343, %dma_wait3A_344] : memref<4x1024x16xi32, #tpu.memory_space<vmem>> -> memref<1x1024x16xi32, #tpu.memory_space<vmem>>
    %dma_wait3A_346 = tpu.memref_squeeze %dma_wait3A_345 : memref<1x1024x16xi32, #tpu.memory_space<vmem>> -> memref<1024x16xi32, #tpu.memory_space<vmem>>
    tpu.wait_dma2 semaphore(%arg16 : memref<!tpu.dma_semaphore, #tpu.memory_space<semaphore_mem>>) src(%dma_wait3A_346 : memref<1024x16xi32, #tpu.memory_space<vmem>>) dst(%dma_wait3A_342 : memref<1024x16xi32, #tpu.memory_space<hbm>>)
    %add3A_347 = arith.constant 99328 : i32
    %add3A_348 = arith.addi %mul3A_2, %add3A_347 : i32
    %dma_wait3A_349 = arith.constant 1 : i32
    %dma_wait3A_350 = arith.constant 0 : i32
    %dma_wait3A_351 = tpu.memref_slice %arg5[%dma_wait3A_349, %dma_wait3A_350] : memref<4x1024xi32, #tpu.memory_space<vmem>> -> memref<1x1024xi32, #tpu.memory_space<vmem>>
    %dma_wait3A_352 = tpu.memref_squeeze %dma_wait3A_351 : memref<1x1024xi32, #tpu.memory_space<vmem>> -> memref<1024xi32, #tpu.memory_space<vmem>>
    %dma_wait3A_353 = tpu.memref_slice %arg3[%add3A_348] : memref<3276800xi32, #tpu.memory_space<hbm>> -> memref<1024xi32, #tpu.memory_space<hbm>>
    %dma_wait3A_354 = arith.constant 0 : i32
    %dma_wait3A_355 = tpu.memref_slice %arg5[%dma_wait3A_349, %dma_wait3A_354] : memref<4x1024xi32, #tpu.memory_space<vmem>> -> memref<1x1024xi32, #tpu.memory_space<vmem>>
    %dma_wait3A_356 = tpu.memref_squeeze %dma_wait3A_355 : memref<1x1024xi32, #tpu.memory_space<vmem>> -> memref<1024xi32, #tpu.memory_space<vmem>>
    %dma_wait3A_357 = tpu.memref_slice %arg3[%add3A_348] : memref<3276800xi32, #tpu.memory_space<hbm>> -> memref<1024xi32, #tpu.memory_space<hbm>>
    tpu.wait_dma2 semaphore(%arg8 : memref<!tpu.dma_semaphore, #tpu.memory_space<semaphore_mem>>) src(%dma_wait3A_357 : memref<1024xi32, #tpu.memory_space<hbm>>) dst(%dma_wait3A_356 : memref<1024xi32, #tpu.memory_space<vmem>>)
    %dma_start3A_358 = arith.constant 1 : i32
    %dma_start3A_359 = arith.constant 1 : i32
    %dma_start3A_360 = arith.constant 0 : i32
    %dma_start3A_361 = arith.constant 0 : i32
    %dma_start3A_362 = tpu.memref_slice %arg6[%dma_start3A_359, %dma_start3A_360, %dma_start3A_361] : memref<4x1024x16xi32, #tpu.memory_space<vmem>> -> memref<1x1024x16xi32, #tpu.memory_space<vmem>>
    %dma_start3A_363 = tpu.memref_squeeze %dma_start3A_362 : memref<1x1024x16xi32, #tpu.memory_space<vmem>> -> memref<1024x16xi32, #tpu.memory_space<vmem>>
    %dma_start3A_364 = arith.constant 0 : i32
    %dma_start3A_365 = tpu.memref_slice %arg5[%dma_start3A_358, %dma_start3A_364] : memref<4x1024xi32, #tpu.memory_space<vmem>> -> memref<1x1024xi32, #tpu.memory_space<vmem>>
    %dma_start3A_366 = tpu.memref_squeeze %dma_start3A_365 : memref<1x1024xi32, #tpu.memory_space<vmem>> -> memref<1024xi32, #tpu.memory_space<vmem>>
    %dma_start3A_367 = arith.constant 0 : i32
    %dma_start3A_368 = arith.constant 0 : i32
    %dma_start3A_369 = tpu.memref_slice %arg2[%dma_start3A_367, %dma_start3A_368] : memref<1000000x16xi32, #tpu.memory_space<hbm>> -> memref<1000000x16xi32, #tpu.memory_space<hbm>>
    tpu.enqueue_indirect_dma source(%dma_start3A_369 : memref<1000000x16xi32, #tpu.memory_space<hbm>>) target(%dma_start3A_363 : memref<1024x16xi32, #tpu.memory_space<vmem>>) offsets(%dma_start3A_366 : memref<1024xi32, #tpu.memory_space<vmem>>) semaphore(%arg12 : memref<!tpu.dma_semaphore, #tpu.memory_space<semaphore_mem>>)
    %dma_wait3A_370 = arith.constant 0 : i32
    %dma_wait3A_371 = arith.constant 0 : i32
    %dma_wait3A_372 = arith.constant 0 : i32
    %dma_wait3A_373 = arith.constant 0 : i32
    %dma_wait3A_374 = tpu.memref_slice %arg6[%dma_wait3A_371, %dma_wait3A_372, %dma_wait3A_373] : memref<4x1024x16xi32, #tpu.memory_space<vmem>> -> memref<1x1024x16xi32, #tpu.memory_space<vmem>>
    %dma_wait3A_375 = tpu.memref_squeeze %dma_wait3A_374 : memref<1x1024x16xi32, #tpu.memory_space<vmem>> -> memref<1024x16xi32, #tpu.memory_space<vmem>>
    %dma_wait3A_376 = arith.constant 0 : i32
    %dma_wait3A_377 = tpu.memref_slice %arg5[%dma_wait3A_370, %dma_wait3A_376] : memref<4x1024xi32, #tpu.memory_space<vmem>> -> memref<1x1024xi32, #tpu.memory_space<vmem>>
    %dma_wait3A_378 = tpu.memref_squeeze %dma_wait3A_377 : memref<1x1024xi32, #tpu.memory_space<vmem>> -> memref<1024xi32, #tpu.memory_space<vmem>>
    %dma_wait3A_379 = arith.constant 0 : i32
    %dma_wait3A_380 = arith.constant 0 : i32
    %dma_wait3A_381 = tpu.memref_slice %arg2[%dma_wait3A_379, %dma_wait3A_380] : memref<1000000x16xi32, #tpu.memory_space<hbm>> -> memref<1000000x16xi32, #tpu.memory_space<hbm>>
    tpu.wait_indirect_dma semaphore(%arg11 : memref<!tpu.dma_semaphore, #tpu.memory_space<semaphore_mem>>) src(%dma_wait3A_381 : memref<1000000x16xi32, #tpu.memory_space<hbm>>) dst(%dma_wait3A_375 : memref<1024x16xi32, #tpu.memory_space<vmem>>)
    %add3A_382 = arith.constant 98304 : i32
    %add3A_383 = arith.addi %mul3A_2, %add3A_382 : i32
    %dma_start3A_384 = arith.constant 0 : i32
    %dma_start3A_385 = arith.constant 0 : i32
    %dma_start3A_386 = arith.constant 0 : i32
    %dma_start3A_387 = tpu.memref_slice %arg6[%dma_start3A_384, %dma_start3A_385, %dma_start3A_386] : memref<4x1024x16xi32, #tpu.memory_space<vmem>> -> memref<1x1024x16xi32, #tpu.memory_space<vmem>>
    %dma_start3A_388 = tpu.memref_squeeze %dma_start3A_387 : memref<1x1024x16xi32, #tpu.memory_space<vmem>> -> memref<1024x16xi32, #tpu.memory_space<vmem>>
    %dma_start3A_389 = arith.constant 0 : i32
    %dma_start3A_390 = tpu.memref_slice %arg4[%add3A_383, %dma_start3A_389] : memref<3276800x16xi32, #tpu.memory_space<hbm>> -> memref<1024x16xi32, #tpu.memory_space<hbm>>
    %dma_start3A_391 = arith.constant 0 : i32
    %dma_start3A_392 = tpu.memref_slice %arg4[%add3A_383, %dma_start3A_391] : memref<3276800x16xi32, #tpu.memory_space<hbm>> -> memref<1024x16xi32, #tpu.memory_space<hbm>>
    %dma_start3A_393 = arith.constant 0 : i32
    %dma_start3A_394 = arith.constant 0 : i32
    %dma_start3A_395 = tpu.memref_slice %arg6[%dma_start3A_384, %dma_start3A_393, %dma_start3A_394] : memref<4x1024x16xi32, #tpu.memory_space<vmem>> -> memref<1x1024x16xi32, #tpu.memory_space<vmem>>
    %dma_start3A_396 = tpu.memref_squeeze %dma_start3A_395 : memref<1x1024x16xi32, #tpu.memory_space<vmem>> -> memref<1024x16xi32, #tpu.memory_space<vmem>>
    tpu.enqueue_dma source(%dma_start3A_396 : memref<1024x16xi32, #tpu.memory_space<vmem>>) target(%dma_start3A_392 : memref<1024x16xi32, #tpu.memory_space<hbm>>) target_semaphore(%arg15 : memref<!tpu.dma_semaphore, #tpu.memory_space<semaphore_mem>>)
    %add3A_397 = arith.constant 96256 : i32
    %add3A_398 = arith.addi %mul3A_2, %add3A_397 : i32
    %dma_wait3A_399 = arith.constant 2 : i32
    %dma_wait3A_400 = arith.constant 0 : i32
    %dma_wait3A_401 = arith.constant 0 : i32
    %dma_wait3A_402 = tpu.memref_slice %arg6[%dma_wait3A_399, %dma_wait3A_400, %dma_wait3A_401] : memref<4x1024x16xi32, #tpu.memory_space<vmem>> -> memref<1x1024x16xi32, #tpu.memory_space<vmem>>
    %dma_wait3A_403 = tpu.memref_squeeze %dma_wait3A_402 : memref<1x1024x16xi32, #tpu.memory_space<vmem>> -> memref<1024x16xi32, #tpu.memory_space<vmem>>
    %dma_wait3A_404 = arith.constant 0 : i32
    %dma_wait3A_405 = tpu.memref_slice %arg4[%add3A_398, %dma_wait3A_404] : memref<3276800x16xi32, #tpu.memory_space<hbm>> -> memref<1024x16xi32, #tpu.memory_space<hbm>>
    %dma_wait3A_406 = arith.constant 0 : i32
    %dma_wait3A_407 = tpu.memref_slice %arg4[%add3A_398, %dma_wait3A_406] : memref<3276800x16xi32, #tpu.memory_space<hbm>> -> memref<1024x16xi32, #tpu.memory_space<hbm>>
    %dma_wait3A_408 = arith.constant 0 : i32
    %dma_wait3A_409 = arith.constant 0 : i32
    %dma_wait3A_410 = tpu.memref_slice %arg6[%dma_wait3A_399, %dma_wait3A_408, %dma_wait3A_409] : memref<4x1024x16xi32, #tpu.memory_space<vmem>> -> memref<1x1024x16xi32, #tpu.memory_space<vmem>>
    %dma_wait3A_411 = tpu.memref_squeeze %dma_wait3A_410 : memref<1x1024x16xi32, #tpu.memory_space<vmem>> -> memref<1024x16xi32, #tpu.memory_space<vmem>>
    tpu.wait_dma2 semaphore(%arg17 : memref<!tpu.dma_semaphore, #tpu.memory_space<semaphore_mem>>) src(%dma_wait3A_411 : memref<1024x16xi32, #tpu.memory_space<vmem>>) dst(%dma_wait3A_407 : memref<1024x16xi32, #tpu.memory_space<hbm>>)
    %add3A_412 = arith.constant 100352 : i32
    %add3A_413 = arith.addi %mul3A_2, %add3A_412 : i32
    %dma_wait3A_414 = arith.constant 2 : i32
    %dma_wait3A_415 = arith.constant 0 : i32
    %dma_wait3A_416 = tpu.memref_slice %arg5[%dma_wait3A_414, %dma_wait3A_415] : memref<4x1024xi32, #tpu.memory_space<vmem>> -> memref<1x1024xi32, #tpu.memory_space<vmem>>
    %dma_wait3A_417 = tpu.memref_squeeze %dma_wait3A_416 : memref<1x1024xi32, #tpu.memory_space<vmem>> -> memref<1024xi32, #tpu.memory_space<vmem>>
    %dma_wait3A_418 = tpu.memref_slice %arg3[%add3A_413] : memref<3276800xi32, #tpu.memory_space<hbm>> -> memref<1024xi32, #tpu.memory_space<hbm>>
    %dma_wait3A_419 = arith.constant 0 : i32
    %dma_wait3A_420 = tpu.memref_slice %arg5[%dma_wait3A_414, %dma_wait3A_419] : memref<4x1024xi32, #tpu.memory_space<vmem>> -> memref<1x1024xi32, #tpu.memory_space<vmem>>
    %dma_wait3A_421 = tpu.memref_squeeze %dma_wait3A_420 : memref<1x1024xi32, #tpu.memory_space<vmem>> -> memref<1024xi32, #tpu.memory_space<vmem>>
    %dma_wait3A_422 = tpu.memref_slice %arg3[%add3A_413] : memref<3276800xi32, #tpu.memory_space<hbm>> -> memref<1024xi32, #tpu.memory_space<hbm>>
    tpu.wait_dma2 semaphore(%arg9 : memref<!tpu.dma_semaphore, #tpu.memory_space<semaphore_mem>>) src(%dma_wait3A_422 : memref<1024xi32, #tpu.memory_space<hbm>>) dst(%dma_wait3A_421 : memref<1024xi32, #tpu.memory_space<vmem>>)
    %dma_start3A_423 = arith.constant 2 : i32
    %dma_start3A_424 = arith.constant 2 : i32
    %dma_start3A_425 = arith.constant 0 : i32
    %dma_start3A_426 = arith.constant 0 : i32
    %dma_start3A_427 = tpu.memref_slice %arg6[%dma_start3A_424, %dma_start3A_425, %dma_start3A_426] : memref<4x1024x16xi32, #tpu.memory_space<vmem>> -> memref<1x1024x16xi32, #tpu.memory_space<vmem>>
    %dma_start3A_428 = tpu.memref_squeeze %dma_start3A_427 : memref<1x1024x16xi32, #tpu.memory_space<vmem>> -> memref<1024x16xi32, #tpu.memory_space<vmem>>
    %dma_start3A_429 = arith.constant 0 : i32
    %dma_start3A_430 = tpu.memref_slice %arg5[%dma_start3A_423, %dma_start3A_429] : memref<4x1024xi32, #tpu.memory_space<vmem>> -> memref<1x1024xi32, #tpu.memory_space<vmem>>
    %dma_start3A_431 = tpu.memref_squeeze %dma_start3A_430 : memref<1x1024xi32, #tpu.memory_space<vmem>> -> memref<1024xi32, #tpu.memory_space<vmem>>
    %dma_start3A_432 = arith.constant 0 : i32
    %dma_start3A_433 = arith.constant 0 : i32
    %dma_start3A_434 = tpu.memref_slice %arg2[%dma_start3A_432, %dma_start3A_433] : memref<1000000x16xi32, #tpu.memory_space<hbm>> -> memref<1000000x16xi32, #tpu.memory_space<hbm>>
    tpu.enqueue_indirect_dma source(%dma_start3A_434 : memref<1000000x16xi32, #tpu.memory_space<hbm>>) target(%dma_start3A_428 : memref<1024x16xi32, #tpu.memory_space<vmem>>) offsets(%dma_start3A_431 : memref<1024xi32, #tpu.memory_space<vmem>>) semaphore(%arg13 : memref<!tpu.dma_semaphore, #tpu.memory_space<semaphore_mem>>)
    %dma_wait3A_435 = arith.constant 1 : i32
    %dma_wait3A_436 = arith.constant 1 : i32
    %dma_wait3A_437 = arith.constant 0 : i32
    %dma_wait3A_438 = arith.constant 0 : i32
    %dma_wait3A_439 = tpu.memref_slice %arg6[%dma_wait3A_436, %dma_wait3A_437, %dma_wait3A_438] : memref<4x1024x16xi32, #tpu.memory_space<vmem>> -> memref<1x1024x16xi32, #tpu.memory_space<vmem>>
    %dma_wait3A_440 = tpu.memref_squeeze %dma_wait3A_439 : memref<1x1024x16xi32, #tpu.memory_space<vmem>> -> memref<1024x16xi32, #tpu.memory_space<vmem>>
    %dma_wait3A_441 = arith.constant 0 : i32
    %dma_wait3A_442 = tpu.memref_slice %arg5[%dma_wait3A_435, %dma_wait3A_441] : memref<4x1024xi32, #tpu.memory_space<vmem>> -> memref<1x1024xi32, #tpu.memory_space<vmem>>
    %dma_wait3A_443 = tpu.memref_squeeze %dma_wait3A_442 : memref<1x1024xi32, #tpu.memory_space<vmem>> -> memref<1024xi32, #tpu.memory_space<vmem>>
    %dma_wait3A_444 = arith.constant 0 : i32
    %dma_wait3A_445 = arith.constant 0 : i32
    %dma_wait3A_446 = tpu.memref_slice %arg2[%dma_wait3A_444, %dma_wait3A_445] : memref<1000000x16xi32, #tpu.memory_space<hbm>> -> memref<1000000x16xi32, #tpu.memory_space<hbm>>
    tpu.wait_indirect_dma semaphore(%arg12 : memref<!tpu.dma_semaphore, #tpu.memory_space<semaphore_mem>>) src(%dma_wait3A_446 : memref<1000000x16xi32, #tpu.memory_space<hbm>>) dst(%dma_wait3A_440 : memref<1024x16xi32, #tpu.memory_space<vmem>>)
    %add3A_447 = arith.constant 99328 : i32
    %add3A_448 = arith.addi %mul3A_2, %add3A_447 : i32
    %dma_start3A_449 = arith.constant 1 : i32
    %dma_start3A_450 = arith.constant 0 : i32
    %dma_start3A_451 = arith.constant 0 : i32
    %dma_start3A_452 = tpu.memref_slice %arg6[%dma_start3A_449, %dma_start3A_450, %dma_start3A_451] : memref<4x1024x16xi32, #tpu.memory_space<vmem>> -> memref<1x1024x16xi32, #tpu.memory_space<vmem>>
    %dma_start3A_453 = tpu.memref_squeeze %dma_start3A_452 : memref<1x1024x16xi32, #tpu.memory_space<vmem>> -> memref<1024x16xi32, #tpu.memory_space<vmem>>
    %dma_start3A_454 = arith.constant 0 : i32
    %dma_start3A_455 = tpu.memref_slice %arg4[%add3A_448, %dma_start3A_454] : memref<3276800x16xi32, #tpu.memory_space<hbm>> -> memref<1024x16xi32, #tpu.memory_space<hbm>>
    %dma_start3A_456 = arith.constant 0 : i32
    %dma_start3A_457 = tpu.memref_slice %arg4[%add3A_448, %dma_start3A_456] : memref<3276800x16xi32, #tpu.memory_space<hbm>> -> memref<1024x16xi32, #tpu.memory_space<hbm>>
    %dma_start3A_458 = arith.constant 0 : i32
    %dma_start3A_459 = arith.constant 0 : i32
    %dma_start3A_460 = tpu.memref_slice %arg6[%dma_start3A_449, %dma_start3A_458, %dma_start3A_459] : memref<4x1024x16xi32, #tpu.memory_space<vmem>> -> memref<1x1024x16xi32, #tpu.memory_space<vmem>>
    %dma_start3A_461 = tpu.memref_squeeze %dma_start3A_460 : memref<1x1024x16xi32, #tpu.memory_space<vmem>> -> memref<1024x16xi32, #tpu.memory_space<vmem>>
    tpu.enqueue_dma source(%dma_start3A_461 : memref<1024x16xi32, #tpu.memory_space<vmem>>) target(%dma_start3A_457 : memref<1024x16xi32, #tpu.memory_space<hbm>>) target_semaphore(%arg16 : memref<!tpu.dma_semaphore, #tpu.memory_space<semaphore_mem>>)
    %add3A_462 = arith.constant 97280 : i32
    %add3A_463 = arith.addi %mul3A_2, %add3A_462 : i32
    %dma_wait3A_464 = arith.constant 3 : i32
    %dma_wait3A_465 = arith.constant 0 : i32
    %dma_wait3A_466 = arith.constant 0 : i32
    %dma_wait3A_467 = tpu.memref_slice %arg6[%dma_wait3A_464, %dma_wait3A_465, %dma_wait3A_466] : memref<4x1024x16xi32, #tpu.memory_space<vmem>> -> memref<1x1024x16xi32, #tpu.memory_space<vmem>>
    %dma_wait3A_468 = tpu.memref_squeeze %dma_wait3A_467 : memref<1x1024x16xi32, #tpu.memory_space<vmem>> -> memref<1024x16xi32, #tpu.memory_space<vmem>>
    %dma_wait3A_469 = arith.constant 0 : i32
    %dma_wait3A_470 = tpu.memref_slice %arg4[%add3A_463, %dma_wait3A_469] : memref<3276800x16xi32, #tpu.memory_space<hbm>> -> memref<1024x16xi32, #tpu.memory_space<hbm>>
    %dma_wait3A_471 = arith.constant 0 : i32
    %dma_wait3A_472 = tpu.memref_slice %arg4[%add3A_463, %dma_wait3A_471] : memref<3276800x16xi32, #tpu.memory_space<hbm>> -> memref<1024x16xi32, #tpu.memory_space<hbm>>
    %dma_wait3A_473 = arith.constant 0 : i32
    %dma_wait3A_474 = arith.constant 0 : i32
    %dma_wait3A_475 = tpu.memref_slice %arg6[%dma_wait3A_464, %dma_wait3A_473, %dma_wait3A_474] : memref<4x1024x16xi32, #tpu.memory_space<vmem>> -> memref<1x1024x16xi32, #tpu.memory_space<vmem>>
    %dma_wait3A_476 = tpu.memref_squeeze %dma_wait3A_475 : memref<1x1024x16xi32, #tpu.memory_space<vmem>> -> memref<1024x16xi32, #tpu.memory_space<vmem>>
    tpu.wait_dma2 semaphore(%arg18 : memref<!tpu.dma_semaphore, #tpu.memory_space<semaphore_mem>>) src(%dma_wait3A_476 : memref<1024x16xi32, #tpu.memory_space<vmem>>) dst(%dma_wait3A_472 : memref<1024x16xi32, #tpu.memory_space<hbm>>)
    %add3A_477 = arith.constant 101376 : i32
    %add3A_478 = arith.addi %mul3A_2, %add3A_477 : i32
    %dma_wait3A_479 = arith.constant 3 : i32
    %dma_wait3A_480 = arith.constant 0 : i32
    %dma_wait3A_481 = tpu.memref_slice %arg5[%dma_wait3A_479, %dma_wait3A_480] : memref<4x1024xi32, #tpu.memory_space<vmem>> -> memref<1x1024xi32, #tpu.memory_space<vmem>>
    %dma_wait3A_482 = tpu.memref_squeeze %dma_wait3A_481 : memref<1x1024xi32, #tpu.memory_space<vmem>> -> memref<1024xi32, #tpu.memory_space<vmem>>
    %dma_wait3A_483 = tpu.memref_slice %arg3[%add3A_478] : memref<3276800xi32, #tpu.memory_space<hbm>> -> memref<1024xi32, #tpu.memory_space<hbm>>
    %dma_wait3A_484 = arith.constant 0 : i32
    %dma_wait3A_485 = tpu.memref_slice %arg5[%dma_wait3A_479, %dma_wait3A_484] : memref<4x1024xi32, #tpu.memory_space<vmem>> -> memref<1x1024xi32, #tpu.memory_space<vmem>>
    %dma_wait3A_486 = tpu.memref_squeeze %dma_wait3A_485 : memref<1x1024xi32, #tpu.memory_space<vmem>> -> memref<1024xi32, #tpu.memory_space<vmem>>
    %dma_wait3A_487 = tpu.memref_slice %arg3[%add3A_478] : memref<3276800xi32, #tpu.memory_space<hbm>> -> memref<1024xi32, #tpu.memory_space<hbm>>
    tpu.wait_dma2 semaphore(%arg10 : memref<!tpu.dma_semaphore, #tpu.memory_space<semaphore_mem>>) src(%dma_wait3A_487 : memref<1024xi32, #tpu.memory_space<hbm>>) dst(%dma_wait3A_486 : memref<1024xi32, #tpu.memory_space<vmem>>)
    %dma_start3A_488 = arith.constant 3 : i32
    %dma_start3A_489 = arith.constant 3 : i32
    %dma_start3A_490 = arith.constant 0 : i32
    %dma_start3A_491 = arith.constant 0 : i32
    %dma_start3A_492 = tpu.memref_slice %arg6[%dma_start3A_489, %dma_start3A_490, %dma_start3A_491] : memref<4x1024x16xi32, #tpu.memory_space<vmem>> -> memref<1x1024x16xi32, #tpu.memory_space<vmem>>
    %dma_start3A_493 = tpu.memref_squeeze %dma_start3A_492 : memref<1x1024x16xi32, #tpu.memory_space<vmem>> -> memref<1024x16xi32, #tpu.memory_space<vmem>>
    %dma_start3A_494 = arith.constant 0 : i32
    %dma_start3A_495 = tpu.memref_slice %arg5[%dma_start3A_488, %dma_start3A_494] : memref<4x1024xi32, #tpu.memory_space<vmem>> -> memref<1x1024xi32, #tpu.memory_space<vmem>>
    %dma_start3A_496 = tpu.memref_squeeze %dma_start3A_495 : memref<1x1024xi32, #tpu.memory_space<vmem>> -> memref<1024xi32, #tpu.memory_space<vmem>>
    %dma_start3A_497 = arith.constant 0 : i32
    %dma_start3A_498 = arith.constant 0 : i32
    %dma_start3A_499 = tpu.memref_slice %arg2[%dma_start3A_497, %dma_start3A_498] : memref<1000000x16xi32, #tpu.memory_space<hbm>> -> memref<1000000x16xi32, #tpu.memory_space<hbm>>
    tpu.enqueue_indirect_dma source(%dma_start3A_499 : memref<1000000x16xi32, #tpu.memory_space<hbm>>) target(%dma_start3A_493 : memref<1024x16xi32, #tpu.memory_space<vmem>>) offsets(%dma_start3A_496 : memref<1024xi32, #tpu.memory_space<vmem>>) semaphore(%arg14 : memref<!tpu.dma_semaphore, #tpu.memory_space<semaphore_mem>>)
    %dma_wait3A_500 = arith.constant 2 : i32
    %dma_wait3A_501 = arith.constant 2 : i32
    %dma_wait3A_502 = arith.constant 0 : i32
    %dma_wait3A_503 = arith.constant 0 : i32
    %dma_wait3A_504 = tpu.memref_slice %arg6[%dma_wait3A_501, %dma_wait3A_502, %dma_wait3A_503] : memref<4x1024x16xi32, #tpu.memory_space<vmem>> -> memref<1x1024x16xi32, #tpu.memory_space<vmem>>
    %dma_wait3A_505 = tpu.memref_squeeze %dma_wait3A_504 : memref<1x1024x16xi32, #tpu.memory_space<vmem>> -> memref<1024x16xi32, #tpu.memory_space<vmem>>
    %dma_wait3A_506 = arith.constant 0 : i32
    %dma_wait3A_507 = tpu.memref_slice %arg5[%dma_wait3A_500, %dma_wait3A_506] : memref<4x1024xi32, #tpu.memory_space<vmem>> -> memref<1x1024xi32, #tpu.memory_space<vmem>>
    %dma_wait3A_508 = tpu.memref_squeeze %dma_wait3A_507 : memref<1x1024xi32, #tpu.memory_space<vmem>> -> memref<1024xi32, #tpu.memory_space<vmem>>
    %dma_wait3A_509 = arith.constant 0 : i32
    %dma_wait3A_510 = arith.constant 0 : i32
    %dma_wait3A_511 = tpu.memref_slice %arg2[%dma_wait3A_509, %dma_wait3A_510] : memref<1000000x16xi32, #tpu.memory_space<hbm>> -> memref<1000000x16xi32, #tpu.memory_space<hbm>>
    tpu.wait_indirect_dma semaphore(%arg13 : memref<!tpu.dma_semaphore, #tpu.memory_space<semaphore_mem>>) src(%dma_wait3A_511 : memref<1000000x16xi32, #tpu.memory_space<hbm>>) dst(%dma_wait3A_505 : memref<1024x16xi32, #tpu.memory_space<vmem>>)
    %add3A_512 = arith.constant 100352 : i32
    %add3A_513 = arith.addi %mul3A_2, %add3A_512 : i32
    %dma_start3A_514 = arith.constant 2 : i32
    %dma_start3A_515 = arith.constant 0 : i32
    %dma_start3A_516 = arith.constant 0 : i32
    %dma_start3A_517 = tpu.memref_slice %arg6[%dma_start3A_514, %dma_start3A_515, %dma_start3A_516] : memref<4x1024x16xi32, #tpu.memory_space<vmem>> -> memref<1x1024x16xi32, #tpu.memory_space<vmem>>
    %dma_start3A_518 = tpu.memref_squeeze %dma_start3A_517 : memref<1x1024x16xi32, #tpu.memory_space<vmem>> -> memref<1024x16xi32, #tpu.memory_space<vmem>>
    %dma_start3A_519 = arith.constant 0 : i32
    %dma_start3A_520 = tpu.memref_slice %arg4[%add3A_513, %dma_start3A_519] : memref<3276800x16xi32, #tpu.memory_space<hbm>> -> memref<1024x16xi32, #tpu.memory_space<hbm>>
    %dma_start3A_521 = arith.constant 0 : i32
    %dma_start3A_522 = tpu.memref_slice %arg4[%add3A_513, %dma_start3A_521] : memref<3276800x16xi32, #tpu.memory_space<hbm>> -> memref<1024x16xi32, #tpu.memory_space<hbm>>
    %dma_start3A_523 = arith.constant 0 : i32
    %dma_start3A_524 = arith.constant 0 : i32
    %dma_start3A_525 = tpu.memref_slice %arg6[%dma_start3A_514, %dma_start3A_523, %dma_start3A_524] : memref<4x1024x16xi32, #tpu.memory_space<vmem>> -> memref<1x1024x16xi32, #tpu.memory_space<vmem>>
    %dma_start3A_526 = tpu.memref_squeeze %dma_start3A_525 : memref<1x1024x16xi32, #tpu.memory_space<vmem>> -> memref<1024x16xi32, #tpu.memory_space<vmem>>
    tpu.enqueue_dma source(%dma_start3A_526 : memref<1024x16xi32, #tpu.memory_space<vmem>>) target(%dma_start3A_522 : memref<1024x16xi32, #tpu.memory_space<hbm>>) target_semaphore(%arg17 : memref<!tpu.dma_semaphore, #tpu.memory_space<semaphore_mem>>)
    %dma_wait3A_527 = arith.constant 3 : i32
    %dma_wait3A_528 = arith.constant 3 : i32
    %dma_wait3A_529 = arith.constant 0 : i32
    %dma_wait3A_530 = arith.constant 0 : i32
    %dma_wait3A_531 = tpu.memref_slice %arg6[%dma_wait3A_528, %dma_wait3A_529, %dma_wait3A_530] : memref<4x1024x16xi32, #tpu.memory_space<vmem>> -> memref<1x1024x16xi32, #tpu.memory_space<vmem>>
    %dma_wait3A_532 = tpu.memref_squeeze %dma_wait3A_531 : memref<1x1024x16xi32, #tpu.memory_space<vmem>> -> memref<1024x16xi32, #tpu.memory_space<vmem>>
    %dma_wait3A_533 = arith.constant 0 : i32
    %dma_wait3A_534 = tpu.memref_slice %arg5[%dma_wait3A_527, %dma_wait3A_533] : memref<4x1024xi32, #tpu.memory_space<vmem>> -> memref<1x1024xi32, #tpu.memory_space<vmem>>
    %dma_wait3A_535 = tpu.memref_squeeze %dma_wait3A_534 : memref<1x1024xi32, #tpu.memory_space<vmem>> -> memref<1024xi32, #tpu.memory_space<vmem>>
    %dma_wait3A_536 = arith.constant 0 : i32
    %dma_wait3A_537 = arith.constant 0 : i32
    %dma_wait3A_538 = tpu.memref_slice %arg2[%dma_wait3A_536, %dma_wait3A_537] : memref<1000000x16xi32, #tpu.memory_space<hbm>> -> memref<1000000x16xi32, #tpu.memory_space<hbm>>
    tpu.wait_indirect_dma semaphore(%arg14 : memref<!tpu.dma_semaphore, #tpu.memory_space<semaphore_mem>>) src(%dma_wait3A_538 : memref<1000000x16xi32, #tpu.memory_space<hbm>>) dst(%dma_wait3A_532 : memref<1024x16xi32, #tpu.memory_space<vmem>>)
    %add3A_539 = arith.constant 101376 : i32
    %add3A_540 = arith.addi %mul3A_2, %add3A_539 : i32
    %dma_start3A_541 = arith.constant 3 : i32
    %dma_start3A_542 = arith.constant 0 : i32
    %dma_start3A_543 = arith.constant 0 : i32
    %dma_start3A_544 = tpu.memref_slice %arg6[%dma_start3A_541, %dma_start3A_542, %dma_start3A_543] : memref<4x1024x16xi32, #tpu.memory_space<vmem>> -> memref<1x1024x16xi32, #tpu.memory_space<vmem>>
    %dma_start3A_545 = tpu.memref_squeeze %dma_start3A_544 : memref<1x1024x16xi32, #tpu.memory_space<vmem>> -> memref<1024x16xi32, #tpu.memory_space<vmem>>
    %dma_start3A_546 = arith.constant 0 : i32
    %dma_start3A_547 = tpu.memref_slice %arg4[%add3A_540, %dma_start3A_546] : memref<3276800x16xi32, #tpu.memory_space<hbm>> -> memref<1024x16xi32, #tpu.memory_space<hbm>>
    %dma_start3A_548 = arith.constant 0 : i32
    %dma_start3A_549 = tpu.memref_slice %arg4[%add3A_540, %dma_start3A_548] : memref<3276800x16xi32, #tpu.memory_space<hbm>> -> memref<1024x16xi32, #tpu.memory_space<hbm>>
    %dma_start3A_550 = arith.constant 0 : i32
    %dma_start3A_551 = arith.constant 0 : i32
    %dma_start3A_552 = tpu.memref_slice %arg6[%dma_start3A_541, %dma_start3A_550, %dma_start3A_551] : memref<4x1024x16xi32, #tpu.memory_space<vmem>> -> memref<1x1024x16xi32, #tpu.memory_space<vmem>>
    %dma_start3A_553 = tpu.memref_squeeze %dma_start3A_552 : memref<1x1024x16xi32, #tpu.memory_space<vmem>> -> memref<1024x16xi32, #tpu.memory_space<vmem>>
    tpu.enqueue_dma source(%dma_start3A_553 : memref<1024x16xi32, #tpu.memory_space<vmem>>) target(%dma_start3A_549 : memref<1024x16xi32, #tpu.memory_space<hbm>>) target_semaphore(%arg18 : memref<!tpu.dma_semaphore, #tpu.memory_space<semaphore_mem>>)
    %add3A_554 = arith.constant 98304 : i32
    %add3A_555 = arith.addi %mul3A_2, %add3A_554 : i32
    %dma_wait3A_556 = arith.constant 0 : i32
    %dma_wait3A_557 = arith.constant 0 : i32
    %dma_wait3A_558 = arith.constant 0 : i32
    %dma_wait3A_559 = tpu.memref_slice %arg6[%dma_wait3A_556, %dma_wait3A_557, %dma_wait3A_558] : memref<4x1024x16xi32, #tpu.memory_space<vmem>> -> memref<1x1024x16xi32, #tpu.memory_space<vmem>>
    %dma_wait3A_560 = tpu.memref_squeeze %dma_wait3A_559 : memref<1x1024x16xi32, #tpu.memory_space<vmem>> -> memref<1024x16xi32, #tpu.memory_space<vmem>>
    %dma_wait3A_561 = arith.constant 0 : i32
    %dma_wait3A_562 = tpu.memref_slice %arg4[%add3A_555, %dma_wait3A_561] : memref<3276800x16xi32, #tpu.memory_space<hbm>> -> memref<1024x16xi32, #tpu.memory_space<hbm>>
    %dma_wait3A_563 = arith.constant 0 : i32
    %dma_wait3A_564 = tpu.memref_slice %arg4[%add3A_555, %dma_wait3A_563] : memref<3276800x16xi32, #tpu.memory_space<hbm>> -> memref<1024x16xi32, #tpu.memory_space<hbm>>
    %dma_wait3A_565 = arith.constant 0 : i32
    %dma_wait3A_566 = arith.constant 0 : i32
    %dma_wait3A_567 = tpu.memref_slice %arg6[%dma_wait3A_556, %dma_wait3A_565, %dma_wait3A_566] : memref<4x1024x16xi32, #tpu.memory_space<vmem>> -> memref<1x1024x16xi32, #tpu.memory_space<vmem>>
    %dma_wait3A_568 = tpu.memref_squeeze %dma_wait3A_567 : memref<1x1024x16xi32, #tpu.memory_space<vmem>> -> memref<1024x16xi32, #tpu.memory_space<vmem>>
    tpu.wait_dma2 semaphore(%arg15 : memref<!tpu.dma_semaphore, #tpu.memory_space<semaphore_mem>>) src(%dma_wait3A_568 : memref<1024x16xi32, #tpu.memory_space<vmem>>) dst(%dma_wait3A_564 : memref<1024x16xi32, #tpu.memory_space<hbm>>)
    %add3A_569 = arith.constant 99328 : i32
    %add3A_570 = arith.addi %mul3A_2, %add3A_569 : i32
    %dma_wait3A_571 = arith.constant 1 : i32
    %dma_wait3A_572 = arith.constant 0 : i32
    %dma_wait3A_573 = arith.constant 0 : i32
    %dma_wait3A_574 = tpu.memref_slice %arg6[%dma_wait3A_571, %dma_wait3A_572, %dma_wait3A_573] : memref<4x1024x16xi32, #tpu.memory_space<vmem>> -> memref<1x1024x16xi32, #tpu.memory_space<vmem>>
    %dma_wait3A_575 = tpu.memref_squeeze %dma_wait3A_574 : memref<1x1024x16xi32, #tpu.memory_space<vmem>> -> memref<1024x16xi32, #tpu.memory_space<vmem>>
    %dma_wait3A_576 = arith.constant 0 : i32
    %dma_wait3A_577 = tpu.memref_slice %arg4[%add3A_570, %dma_wait3A_576] : memref<3276800x16xi32, #tpu.memory_space<hbm>> -> memref<1024x16xi32, #tpu.memory_space<hbm>>
    %dma_wait3A_578 = arith.constant 0 : i32
    %dma_wait3A_579 = tpu.memref_slice %arg4[%add3A_570, %dma_wait3A_578] : memref<3276800x16xi32, #tpu.memory_space<hbm>> -> memref<1024x16xi32, #tpu.memory_space<hbm>>
    %dma_wait3A_580 = arith.constant 0 : i32
    %dma_wait3A_581 = arith.constant 0 : i32
    %dma_wait3A_582 = tpu.memref_slice %arg6[%dma_wait3A_571, %dma_wait3A_580, %dma_wait3A_581] : memref<4x1024x16xi32, #tpu.memory_space<vmem>> -> memref<1x1024x16xi32, #tpu.memory_space<vmem>>
    %dma_wait3A_583 = tpu.memref_squeeze %dma_wait3A_582 : memref<1x1024x16xi32, #tpu.memory_space<vmem>> -> memref<1024x16xi32, #tpu.memory_space<vmem>>
    tpu.wait_dma2 semaphore(%arg16 : memref<!tpu.dma_semaphore, #tpu.memory_space<semaphore_mem>>) src(%dma_wait3A_583 : memref<1024x16xi32, #tpu.memory_space<vmem>>) dst(%dma_wait3A_579 : memref<1024x16xi32, #tpu.memory_space<hbm>>)
    %add3A_584 = arith.constant 100352 : i32
    %add3A_585 = arith.addi %mul3A_2, %add3A_584 : i32
    %dma_wait3A_586 = arith.constant 2 : i32
    %dma_wait3A_587 = arith.constant 0 : i32
    %dma_wait3A_588 = arith.constant 0 : i32
    %dma_wait3A_589 = tpu.memref_slice %arg6[%dma_wait3A_586, %dma_wait3A_587, %dma_wait3A_588] : memref<4x1024x16xi32, #tpu.memory_space<vmem>> -> memref<1x1024x16xi32, #tpu.memory_space<vmem>>
    %dma_wait3A_590 = tpu.memref_squeeze %dma_wait3A_589 : memref<1x1024x16xi32, #tpu.memory_space<vmem>> -> memref<1024x16xi32, #tpu.memory_space<vmem>>
    %dma_wait3A_591 = arith.constant 0 : i32
    %dma_wait3A_592 = tpu.memref_slice %arg4[%add3A_585, %dma_wait3A_591] : memref<3276800x16xi32, #tpu.memory_space<hbm>> -> memref<1024x16xi32, #tpu.memory_space<hbm>>
    %dma_wait3A_593 = arith.constant 0 : i32
    %dma_wait3A_594 = tpu.memref_slice %arg4[%add3A_585, %dma_wait3A_593] : memref<3276800x16xi32, #tpu.memory_space<hbm>> -> memref<1024x16xi32, #tpu.memory_space<hbm>>
    %dma_wait3A_595 = arith.constant 0 : i32
    %dma_wait3A_596 = arith.constant 0 : i32
    %dma_wait3A_597 = tpu.memref_slice %arg6[%dma_wait3A_586, %dma_wait3A_595, %dma_wait3A_596] : memref<4x1024x16xi32, #tpu.memory_space<vmem>> -> memref<1x1024x16xi32, #tpu.memory_space<vmem>>
    %dma_wait3A_598 = tpu.memref_squeeze %dma_wait3A_597 : memref<1x1024x16xi32, #tpu.memory_space<vmem>> -> memref<1024x16xi32, #tpu.memory_space<vmem>>
    tpu.wait_dma2 semaphore(%arg17 : memref<!tpu.dma_semaphore, #tpu.memory_space<semaphore_mem>>) src(%dma_wait3A_598 : memref<1024x16xi32, #tpu.memory_space<vmem>>) dst(%dma_wait3A_594 : memref<1024x16xi32, #tpu.memory_space<hbm>>)
    %add3A_599 = arith.constant 101376 : i32
    %add3A_600 = arith.addi %mul3A_2, %add3A_599 : i32
    %dma_wait3A_601 = arith.constant 3 : i32
    %dma_wait3A_602 = arith.constant 0 : i32
    %dma_wait3A_603 = arith.constant 0 : i32
    %dma_wait3A_604 = tpu.memref_slice %arg6[%dma_wait3A_601, %dma_wait3A_602, %dma_wait3A_603] : memref<4x1024x16xi32, #tpu.memory_space<vmem>> -> memref<1x1024x16xi32, #tpu.memory_space<vmem>>
    %dma_wait3A_605 = tpu.memref_squeeze %dma_wait3A_604 : memref<1x1024x16xi32, #tpu.memory_space<vmem>> -> memref<1024x16xi32, #tpu.memory_space<vmem>>
    %dma_wait3A_606 = arith.constant 0 : i32
    %dma_wait3A_607 = tpu.memref_slice %arg4[%add3A_600, %dma_wait3A_606] : memref<3276800x16xi32, #tpu.memory_space<hbm>> -> memref<1024x16xi32, #tpu.memory_space<hbm>>
    %dma_wait3A_608 = arith.constant 0 : i32
    %dma_wait3A_609 = tpu.memref_slice %arg4[%add3A_600, %dma_wait3A_608] : memref<3276800x16xi32, #tpu.memory_space<hbm>> -> memref<1024x16xi32, #tpu.memory_space<hbm>>
    %dma_wait3A_610 = arith.constant 0 : i32
    %dma_wait3A_611 = arith.constant 0 : i32
    %dma_wait3A_612 = tpu.memref_slice %arg6[%dma_wait3A_601, %dma_wait3A_610, %dma_wait3A_611] : memref<4x1024x16xi32, #tpu.memory_space<vmem>> -> memref<1x1024x16xi32, #tpu.memory_space<vmem>>
    %dma_wait3A_613 = tpu.memref_squeeze %dma_wait3A_612 : memref<1x1024x16xi32, #tpu.memory_space<vmem>> -> memref<1024x16xi32, #tpu.memory_space<vmem>>
    tpu.wait_dma2 semaphore(%arg18 : memref<!tpu.dma_semaphore, #tpu.memory_space<semaphore_mem>>) src(%dma_wait3A_613 : memref<1024x16xi32, #tpu.memory_space<vmem>>) dst(%dma_wait3A_609 : memref<1024x16xi32, #tpu.memory_space<hbm>>)
    return
  }
}

</mosaic_0001>

<sc_bundles>
// kernel: kernel.3.cloned.1.call-start
scs
__scs_entry_jumppad:
0x0: {  	(pc) =	sbr.rel $0x88, $3  }
0x1: {  	(tag) =	ssettag $0x0;
	lr =	simm.s32 $0x1  }
0x2: {  	[smem:$0x3F9F] =	sst lr;
	_ =	strace $0xD0000000  }
0x3: {  	_ = 	snop  }
0x4: {  	_ = 	snop  }
0x5: {  	_ = 	snop  }
0x6: {  	_ = 	snop  }
0x7: {  	_ = 	snop  }
__scs_overlays_trampoline_lowered:
0x8: {  	[smem:$0x3FAE] =	sst s0  }
0x9: {  	[smem:$0x3FAF] =	sst s1  }
0xa: {  	[smem:$0x3FB0] =	sst s2  }
0xb: {  	[smem:$0x3FB1] =	sst s3  }
0xc: {  	[smem:$0x3FB2] =	sst s4  }
0xd: {  	[smem:$0x3FB3] =	sst s5  }
0xe: {  	[smem:$0x3FB4] =	sst s6  }
0xf: {  	[smem:$0x3FB5] =	sst s7  }
0x10: {  	[smem:$0x3FB6] =	sst s8  }
0x11: {  	[smem:$0x3FB7] =	sst s9;
	s0 =	simm.s32 @!p0 $0x0  }
0x12: {  	s1 =	sld [smem:$0x3F9D];
	s0 =	simm.s32 @p0 $0x1  }
0x13: {  	[smem:$0x3FB8] =	sst s0;
	s0 =	simm.s32 @!p1 $0x0  }
0x14: {  	s2 =	sld [smem:$0x3F9C];
	s0 =	simm.s32 @p1 $0x1  }
0x15: {  	[smem:$0x3FB9] =	sst s0;
	s0 =	simm.s32 @!p2 $0x0  }
0x16: {  	s3 =	sld [smem:$0x3FDB];
	s0 =	simm.s32 @p2 $0x1  }
0x17: {  	s4 =	simm.s32 $0x1BF5;
	[smem:$0x3FBB] =	sst s0  }
0x18: {  	s0 =	sld [smem:$0x3F9E];
	_ =	swait.ge [sflag:s4], $0x0  }
0x19: {  	s7 =	sld [smem:$0x3F9F]  }
0x1a: {  	s8 =	sadd.s32 $0xFFFFE003, lr  }
0x1b: {  	s9 =	sadd.s32 $0xFFFFFEF7, lr;
	s5 =	simm.s32 $0xFFFFFFFF;
	p2 =	slt.u32 s8, $0xFFFFF086  }
0x1c: {  	p1 =	slt.u32 s9, $0xF7A;
	s5 =	simm.s32 @!p2 $0x0  }
0x1d: {  	s5 =	simm.s32 @p1 $0x1;
	p0 =	seq.s32 s7, s2  }
0x1e: {  	s7 =	smul.u32 @!p0 $0xF7A, s2;
	p2 =	seq.s32 @!p0 s5, $0x0  }
0x1f: {  	s9 =	smul.u32 $0xF7A, s1;
	s8 =	simm.s32 @!p0 $0x1BF5;
	p2 =	por !p2, p0  }
0x20: {  	[sflag:s8] =	ssyncset.s32 @!p0 $0xFFFFF086;
	s6 =	sadd.s32 @!p0 s3, s7;
	s7 =	simm.s32 @!p0 $0x108  }
0x21: {  	s3 =	sadd.s32 s3, s9;
	s6 =	sadd.s32 @!p0 $0x88, s6;
	s7 =	simm.s32 @p2 $0x1082  }
0x22: {  	[simem:s7], [sflag:s8] =	dma.local @!p0 [hbm:s6], $0xF7A  }
0x23: {  	s9 =	sor.u32 $0xD0000000, s2;
	s6 =	simm.s32 $0x108;
	_ =	swait.ge @!p0 [sflag:s8], $0x0  }
0x24: {  	s3 =	sadd.s32 $0x88, s3;
	s6 =	simm.s32 @!p1 $0x1082;
	[sflag:s4] =	ssyncset.s32 $0xFFFFF086  }
0x25: {  	[simem:s6], [sflag:s4] =	dma.local [hbm:s3], $0xF7A  }
0x26: {  	[smem:$0x3F9F] =	sst s1;
	(tag) =	ssettag s2;
	_ =	strace s9  }
0x27: {  	s1 =	sld [smem:$0x3FAF]  }
0x28: {  	s2 =	sld [smem:$0x3FB0]  }
0x29: {  	s4 =	sld [smem:$0x3FB2]  }
0x2a: {  	p0 =	seq.s32 s5, $0x0;
	s5 =	sld [smem:$0x3FB3]  }
0x2b: {  	s6 =	sld [smem:$0x3FB4]  }
0x2c: {  	s7 =	sld [smem:$0x3FB5]  }
0x2d: {  	s3 =	simm.s32 $0x108;
	s8 =	sld [smem:$0x3FB6]  }
0x2e: {  	s3 =	simm.s32 @!p0 $0x1082;
	s9 =	sld [smem:$0x3FB7]  }
0x2f: {  	lr =	sadd.s32 s0, s3;
	s0 =	sld [smem:$0x3FAE]  }
0x30: {  	s3 =	sld [smem:$0x3FB1]  }
0x31: {  	[smem:$0x3FBA] =	sst s10  }
0x32: {  	s10 =	sld [smem:$0x3FB8];
	_ =	sdelay $0x3  }
0x33: {  	p0 =	seq.s32 s10, $0x1;
	s10 =	sld [smem:$0x3FBA];
	_ =	sdelay $0x3  }
0x34: {  	[smem:$0x3FBA] =	sst s10  }
0x35: {  	s10 =	sld [smem:$0x3FB9];
	_ =	sdelay $0x3  }
0x36: {  	p1 =	seq.s32 s10, $0x1;
	s10 =	sld [smem:$0x3FBA];
	_ =	sdelay $0x3  }
0x37: {  	[smem:$0x3FBA] =	sst s10  }
0x38: {  	s10 =	sld [smem:$0x3FBB]  }
0x39: {  	_ = 	snop;
	(pc) =	sbr.ind lr, $3  }
0x3a: {  	_ = 	snop  }
0x3b: {  	_ = 	snop  }
0x3c: {  	p2 =	seq.s32 s10, $0x1;
	s10 =	sld [smem:$0x3FBA]  }
0x3d: {  	_ =	shalt  }
0x3e: {  	_ =	shalt  }
0x3f: {  	_ =	shalt  }
0x40: {  	_ =	shalt  }
0x41: {  	_ =	shalt  }
0x42: {  	_ =	shalt  }
0x43: {  	_ =	shalt  }
0x44: {  	_ =	shalt  }
0x45: {  	_ =	shalt  }
0x46: {  	_ =	shalt  }
0x47: {  	_ =	shalt  }
0x48: {  	_ =	shalt  }
0x49: {  	_ =	shalt  }
0x4a: {  	_ =	shalt  }
0x4b: {  	_ =	shalt  }
0x4c: {  	_ =	shalt  }
0x4d: {  	_ =	shalt  }
0x4e: {  	_ =	shalt  }
0x4f: {  	_ =	shalt  }
0x50: {  	_ =	shalt  }
0x51: {  	_ =	shalt  }
0x52: {  	_ =	shalt  }
0x53: {  	_ =	shalt  }
0x54: {  	_ =	shalt  }
0x55: {  	_ =	shalt  }
0x56: {  	_ =	shalt  }
0x57: {  	_ =	shalt  }
0x58: {  	_ =	shalt  }
0x59: {  	_ =	shalt  }
0x5a: {  	_ =	shalt  }
0x5b: {  	_ =	shalt  }
0x5c: {  	_ =	shalt  }
0x5d: {  	_ =	shalt  }
0x5e: {  	_ =	shalt  }
0x5f: {  	_ =	shalt  }
0x60: {  	_ =	shalt  }
0x61: {  	_ =	shalt  }
0x62: {  	_ =	shalt  }
0x63: {  	_ =	shalt  }
0x64: {  	_ =	shalt  }
0x65: {  	_ =	shalt  }
0x66: {  	_ =	shalt  }
0x67: {  	_ =	shalt  }
0x68: {  	_ =	shalt  }
0x69: {  	_ =	shalt  }
0x6a: {  	_ =	shalt  }
0x6b: {  	_ =	shalt  }
0x6c: {  	_ =	shalt  }
0x6d: {  	_ =	shalt  }
0x6e: {  	_ =	shalt  }
0x6f: {  	_ =	shalt  }
0x70: {  	_ =	shalt  }
0x71: {  	_ =	shalt  }
0x72: {  	_ =	shalt  }
0x73: {  	_ =	shalt  }
0x74: {  	_ =	shalt  }
0x75: {  	_ =	shalt  }
0x76: {  	_ =	shalt  }
0x77: {  	_ =	shalt  }
0x78: {  	_ =	shalt  }
0x79: {  	_ =	shalt  }
0x7a: {  	_ =	shalt  }
0x7b: {  	_ =	shalt  }
0x7c: {  	_ =	shalt  }
0x7d: {  	_ =	shalt  }
0x7e: {  	_ =	shalt  }
0x7f: {  	_ =	shalt  }
0x80: {  	_ =	shalt  }
0x81: {  	_ =	shalt  }
0x82: {  	_ =	shalt  }
0x83: {  	_ =	shalt  }
0x84: {  	_ =	shalt  }
0x85: {  	_ =	shalt  }
0x86: {  	_ =	shalt  }
0x87: {  	_ =	shalt  }
.Lfunc_end0:
.L_simem_size_0:
called_computation.1_lowered:
.L_overlay_start_0:
0x88: {  	s2 =	sld [smem:$0x3FD9]  }
0x89: {  	s3 =	sld [smem:$0x3FFE];
	_ =	sdelay $0x1  }
0x8a: {  	s1 =	srdreg.scid  }
0x8b: {  	s0 =	sand.u32 $0x1, s1  }
0x8c: {  	s17 =	sshll.u32 s0, $0xA;
	s2 =	sadd.s32 s3, s2  }
0x8d: {  	s2 =	sadd.s32 s2, s17  }
0x8e: {  	[smem:$0x3FC6] =	sst s2  }
0x8f: {  	_ = 	snop  }
0x90: {  	s2 =	sld [smem:$0x3FD0];
	(tm) =	ssettm $0x1  }
0x91: {  	s18 =	sld [smem:$0x3FFB];
	_ =	sdelay $0x3  }
0x92: {  	_ =	strace s18  }
0x93: {  	s3 =	sld [smem:$0x3FFC];
	_ =	sdelay $0x3  }
0x94: {  	_ =	strace s3  }
0x95: {  	s3 =	sld [smem:$0x3FFD];
	_ =	sdelay $0x3  }
0x96: {  	_ =	strace s3  }
0x97: {  	_ =	strace $0x8FFFFFFF  }
0x98: {  	s19 =	sld [smem:$0x3FDB];
	_ =	sdelay $0x1  }
0x99: {  	s4 =	simm.s32 $_scs_section_size  }
0x9a: {  	s5 =	simm.s32 $_size__tile_overlayer_lowered;
	s6 =	simm.s32 $_tile_overlayer_lowered  }
0x9b: {  	s22 =	simm.s32 $0x1BFF;
	s21 =	sshll.u32 s6, $0x1;
	s3 =	sadd.s32 s4, s19  }
0x9c: {  	s7 =	simm.s32 $0x0;
	s20 =	sshll.u32 s5, $0x1;
	s5 =	sadd.s32 s21, s3  }
0x9d: {  	[timem:s7], [sflag:s22] =	dma.local [hbm:s5], s20  }
0x9e: {  	_ =	swait.ge [sflag:s22], s20  }
0x9f: {  	s4 =	ssub.s32 $0x0, s20;
	[sflag:s22] =	ssyncset.done $0x0  }
0xa0: {  	[sflag:s22] =	ssyncadd.s32 s4;
	_ =	sdelay $0x1  }
0xa1: {  	s23 =	simm.s32 $0x1B8B  }
0xa2: {  	_ =	swait.ge [sflag:s23], $0x1  }
0xa3: {  	[sflag:s23] =	ssyncset.done $0x0  }
0xa4: {  	s25 =	simm.s32 $0x1B8E;
	s24 =	sld [smem:$0x3FFE];
	[sflag:s23] =	ssyncadd.s32 $0xFFFFFFFF  }
0xa5: {  	s26 =	simm.s32 $execute0_lowered;
	[smem:$0x3FD2] =	sst s25  }
0xa6: {  	s5 =	sshll.u32 s26, $0x1;
	_ =	strace $0x80000046;
	[dreg:$0x1] =	wrdreg $0xFFFFFFFF  }
0xa7: {  	s28 =	simm.s32 $_size_execute0_lowered;
	s3 =	sadd.s32 s3, s5;
	[dreg:$0x0] =	wrdreg $0x0  }
0xa8: {  	s5 =	sshll.u32 s28, $0x1;
	[dreg:$0x2] =	wrdreg s3  }
0xa9: {  	[dreg:$0x3] =	wrdreg s5  }
0xaa: {  	[dreg:$0x4] =	wrdreg $0xC0  }
0xab: {  	_ =	task [dreg:s7], $0x5FFFF  }
0xac: {  	[dreg:$0x1] =	wrdreg $0xFFFFFFFF  }
0xad: {  	[dreg:$0x0] =	wrdreg $0x60  }
0xae: {  	[dreg:$0x2] =	wrdreg s24  }
0xaf: {  	[dreg:$0x3] =	wrdreg s2  }
0xb0: {  	[dreg:$0x4] =	wrdreg $0x9  }
0xb1: {  	_ =	task.clear_ibuf [dreg:s7], $0x5FFFF;
	_ =	strace $0x90000046  }
0xb2: {  	s29 =	simm.s32 $0x9;
	_ =	strace $0x80000048  }
0xb3: {  	_ =	swait.ge [sflag:s29], $0x1  }
0xb4: {  	[sflag:s29] =	ssyncadd.s32 $0xFFFFFFFF  }
0xb5: {  	_ =	strace $0x90000048  }
0xb6: {  	_ =	sfence  }
0xb7: {  	s30 =	sld [smem:$0x0];
	_ =	sdelay $0x2  }
0xb8: {  	s31 =	sshll.u32 s1, $0xD;
	s1 =	sshrl.u32 s1, $0x2  }
0xb9: {  	s3 =	sand.u32 $0x4000, s31;
	s1 =	sadd.s32 s1, s30  }
0xba: {  	s0 =	sor.u32 s3, s0;
	s1 =	sshll.u32 s1, $0x11  }
0xbb: {  	s0 =	sor.u32 s1, s0  }
0xbc: {  	s0 =	sadd.s32 $0x8F2B, s0  }
0xbd: {  	[sflag:s0] =	ssyncadd.remote.s32 $0x1  }
0xbe: {  	_ =	sfence.sel $0xFFFF  }
0xbf: {  	[dreg:$0x0] =	wrdreg $0xFFFFFFFF;
	(pc) =	sbr.abs _section_cstart, $3  }
0xc0: {  	[dreg:$0x1] =	wrdreg $0xFFFFFFFF  }
0xc1: {  	_ =	task.clear_ibuf [dreg:s7], $0x2FFFF;
	_ =	strace $0x9FFFFFFF  }
0xc2: {  	(tm) =	ssettm $0x7FFFFFFF  }
0xc3: {  	_ =	shalt  }
tec
execute0_lowered:
.L_overlay_start_1:
0x0: {  	(tag) =	ssettag $0x1  }
0x1: {  	s0 =	rddreg [dreg:$0x0];
	s1 =	srdreg.scid  }
0x2: {  	s13 =	stileid.u32;
	s2 =	rddreg [dreg:$0x1];
	s3 =	simm.s32 $0x0  }
0x3: {  	s28 =	simm.s32 $0x800;
	s1 =	sand.u32 $0x1, s1;
	s24 =	smul.u32 $0x320000, s13  }
0x4: {  	s29 =	simm.s32 $0x1;
	s4 =	sshll.u32 s13, $0x1;
	s23 =	smul.u32 $0x19000, s1  }
0x5: {  	s5 =	sor.u32 s1, s4;
	s6 =	ssub.s32 $0x2, s1;
	s1 =	smul.u32 $0x190000, s1  }
0x6: {  	s30 =	simm.s32 $0x1000;
	[smem:$0x7FF] =	sst s3;
	s7 =	smul.u32 $0x19000, s5  }
0x7: {  	_ =	strace $0x80000047;
	s8 =	sshrl.u32 s6, $0x1;
	s12 =	smul.u32 $0x32000, s5  }
0x8: {  	s4 =	sadd.s32 $0xFA6C00, s0;
	s0 =	sadd.s32 $0x800, s0;
	s6 =	ssub.s32 s6, s8  }
0x9: {  	s1 =	sadd.s32 s1, s24;
	s25 =	sshrl.u32 s7, $0x3;
	s17 =	sadd.s32 s2, s12  }
0xa: {  	s26 =	sor.u32 $0x400, s7;
	s6 =	smax.u32 s6, $0x1;
	[dreg:$0xb] =	wrdreg s17  }
0xb: {  	s9 =	sor.u32 $0x800, s7;
	s1 =	sadd.s32 $0x10000, s1;
	[dreg:$0x17] =	wrdreg s6  }
0xc: {  	s14 =	sadd.s32 s0, s25;
	s10 =	sshrl.u32 s26, $0x3;
	[dreg:$0x18] =	wrdreg s1  }
0xd: {  	s11 =	sshrl.u32 s9, $0x3;
	s10 =	sadd.s32 s0, s10;
	[dreg:$0x7] =	wrdreg s14  }
0xe: {  	s31 =	simm.s32 $0xC00;
	s15 =	sadd.s32 s0, s11;
	[dreg:$0x8] =	wrdreg s10  }
0xf: {  	s5 =	smul.u32 $0x190000, s5;
	s16 =	sadd.s32 $0x180, s14;
	[dreg:$0x9] =	wrdreg s15  }
0x10: {  	s8 =	sshll.u32 s26, $0x1;
	s18 =	sadd.s32 $0x200, s14;
	[dreg:$0xa] =	wrdreg s16  }
0x11: {  	s5 =	sshrl.u32 s5, $0x3;
	s8 =	sadd.s32 s2, s8;
	[dreg:$0xc] =	wrdreg s18  }
0x12: {  	s7 =	sadd.s32 $0x18C00, s7;
	s20 =	sadd.s32 $0x280, s14;
	[dreg:$0xd] =	wrdreg s8  }
0x13: {  	s5 =	sadd.s32 s2, s5;
	s22 =	sadd.s32 $0x300, s14;
	[dreg:$0xe] =	wrdreg s20  }
0x14: {  	s25 =	sshrl.u32 s7, $0x3;
	s26 =	sadd.s32 $0x2F800, s5;
	[dreg:$0x10] =	wrdreg s22  }
0x15: {  	s21 =	smul.u32 $0x32000, s13;
	s11 =	sadd.s32 s0, s25;
	[dreg:$0x11] =	wrdreg s26  }
0x16: {  	s19 =	sshll.u32 s9, $0x1;
	s14 =	sadd.s32 $0x30000, s5;
	[dreg:$0x12] =	wrdreg s11  }
0x17: {  	s1 =	simm.s32 $0x2;
	s17 =	sadd.s32 $0x30800, s5;
	[dreg:$0x13] =	wrdreg s14  }
0x18: {  	s6 =	simm.s32 $0x5;
	s5 =	sadd.s32 $0x31000, s5;
	[dreg:$0x14] =	wrdreg s17  }
0x19: {  	s8 =	sadd.s32 s2, s19;
	[dreg:$0x15] =	wrdreg s5;
	s19 =	sshll.u32 s7, $0x1  }
0x1a: {  	s7 =	simm.s32 $0x3;
	s11 =	simm.s32 $0xD000;
	s14 =	simm.s32 $0x8  }
0x1b: {  	s17 =	simm.s32 $0xC;
	[dreg:$0xf] =	wrdreg s8;
	s8 =	sadd.s32 s23, s21  }
0x1c: {  	s5 =	sadd.s32 s2, s19;
	s12 =	sadd.s32 $0x2800, s8;
	s13 =	sadd.s32 $0x2400, s8  }
0x1d: {  	s16 =	sadd.s32 $0x2000, s8;
	[dreg:$0x16] =	wrdreg s5;
	s21 =	sadd.s32 $0x1C00, s8  }
0x1e: {  	s22 =	sshll.u32 s8, $0x1;
	s8 =	simm.s32 $0x9000;
	s9 =	sshrl.u32 s12, $0x3  }
0x1f: {  	s10 =	sshrl.u32 s13, $0x3;
	s18 =	sshrl.u32 s16, $0x3;
	s9 =	sadd.s32 s9, s0  }
0x20: {  	s5 =	sshrl.u32 s21, $0x3;
	s15 =	sadd.s32 s10, s0;
	[dreg:$0x3] =	wrdreg s9  }
0x21: {  	s23 =	sadd.s32 s22, s2;
	s20 =	sadd.s32 s18, s0;
	[dreg:$0x4] =	wrdreg s15  }
0x22: {  	s12 =	simm.s32 $0x7;
	s24 =	sadd.s32 $0x3000, s23;
	[dreg:$0x5] =	wrdreg s20  }
0x23: {  	s13 =	simm.s32 $0x9;
	s0 =	sadd.s32 s5, s0;
	[dreg:$0x19] =	wrdreg s24  }
0x24: {  	s16 =	simm.s32 $0xB;
	s25 =	sadd.s32 $0x2800, s23;
	[dreg:$0x6] =	wrdreg s0  }
0x25: {  	s26 =	sadd.s32 $0x1800, s23;
	s10 =	simm.s32 $0x4;
	[dreg:$0x1a] =	wrdreg s25  }
0x26: {  	s18 =	simm.s32 $0x0;
	[dreg:$0x1b] =	wrdreg s26;
	s26 =	simm.s32 $0x400  }
0x27: {  	s0 =	simm.s32 $0x5000;
	s9 =	simm.s32 $0x6;
	s15 =	simm.s32 $0xA  }
.LBB2_1:
0x28: {  	s5 =	rddreg [dreg:$0x7]  }
0x29: {  	[tilespmem:s3], [sflag:$0x1] =	stream.linear.gather [hbm4b:s5+s3], $0x400, $0x38;
	[tilespmem:$0x11000] =	vst v63  }
0x2a: {  	s24 =	rddreg [dreg:$0x8]  }
0x2b: {  	[tilespmem:s26], [sflag:$0x2] =	stream.linear.gather [hbm4b:s24+s3], $0x400, $0x38;
	[tilespmem:$0x11000] =	vst v63  }
0x2c: {  	s25 =	rddreg [dreg:$0x9]  }
0x2d: {  	[tilespmem:s28], [sflag:$0x3] =	stream.linear.gather [hbm4b:s25+s3], $0x400, $0x38;
	[tilespmem:$0x11000] =	vst v63  }
0x2e: {  	_ =	swait.ge [sflag:s29], $0x400  }
0x2f: {  	[sflag:s29] =	ssyncset.done $0x0  }
0x30: {  	[sflag:s29] =	ssyncadd.s32 $0xFFFFFC00  }
0x31: {  	[tilespmem:s30], [sflag:$0x5] =	stream.indirect.gather [hbm4b:s4+s26], $0x10, s3, s26, $0xb8;
	[tilespmem:$0x11000] =	vst v63  }
0x32: {  	s19 =	rddreg [dreg:$0xa]  }
0x33: {  	[tilespmem:s31], [sflag:$0x4] =	stream.linear.gather [hbm4b:s19+s3], $0x400, $0x38;
	[tilespmem:$0x11000] =	vst v63  }
0x34: {  	_ =	swait.ge [sflag:s1], $0x400  }
0x35: {  	[sflag:s1] =	ssyncset.done $0x0  }
0x36: {  	[sflag:s1] =	ssyncadd.s32 $0xFFFFFC00  }
0x37: {  	[tilespmem:s0], [sflag:$0x6] =	stream.indirect.gather [hbm4b:s4+s26], $0x10, s26, s26, $0xb8;
	[tilespmem:$0x11000] =	vst v63  }
0x38: {  	_ =	swait.ge [sflag:s6], $0x4000  }
0x39: {  	[sflag:s6] =	ssyncset.done $0x0  }
0x3a: {  	s20 =	rddreg [dreg:$0xb];
	[sflag:s6] =	ssyncadd.s32 $0xFFFFC000  }
0x3b: {  	[hbm4b:s20+s3] =	stream.linear.scatter [tilespmem:s30], [sflag:$0x9], $0x4000, $0x38;
	[tilespmem:$0x11000] =	vst v63  }
0x3c: {  	s21 =	rddreg [dreg:$0xc]  }
0x3d: {  	[tilespmem:s3], [sflag:$0x1] =	stream.linear.gather [hbm4b:s21+s3], $0x400, $0x38;
	[tilespmem:$0x11000] =	vst v63  }
0x3e: {  	_ =	swait.ge [sflag:s7], $0x400  }
0x3f: {  	[sflag:s7] =	ssyncset.done $0x0  }
0x40: {  	[sflag:s7] =	ssyncadd.s32 $0xFFFFFC00  }
0x41: {  	[tilespmem:s8], [sflag:$0x7] =	stream.indirect.gather [hbm4b:s4+s26], $0x10, s28, s26, $0xb8;
	[tilespmem:$0x11000] =	vst v63  }
0x42: {  	_ =	swait.ge [sflag:s9], $0x4000  }
0x43: {  	[sflag:s9] =	ssyncset.done $0x0  }
0x44: {  	s22 =	rddreg [dreg:$0xd];
	[sflag:s9] =	ssyncadd.s32 $0xFFFFC000  }
0x45: {  	[hbm4b:s22+s3] =	stream.linear.scatter [tilespmem:s0], [sflag:$0xA], $0x4000, $0x38;
	[tilespmem:$0x11000] =	vst v63  }
0x46: {  	s23 =	rddreg [dreg:$0xe]  }
0x47: {  	[tilespmem:s26], [sflag:$0x2] =	stream.linear.gather [hbm4b:s23+s3], $0x400, $0x38;
	[tilespmem:$0x11000] =	vst v63  }
0x48: {  	_ =	swait.ge [sflag:s10], $0x400  }
0x49: {  	[sflag:s10] =	ssyncset.done $0x0  }
0x4a: {  	[sflag:s10] =	ssyncadd.s32 $0xFFFFFC00  }
0x4b: {  	[tilespmem:s11], [sflag:$0x8] =	stream.indirect.gather [hbm4b:s4+s26], $0x10, s31, s26, $0xb8;
	[tilespmem:$0x11000] =	vst v63  }
0x4c: {  	_ =	swait.ge [sflag:s12], $0x4000  }
0x4d: {  	[sflag:s12] =	ssyncset.done $0x0  }
0x4e: {  	s24 =	rddreg [dreg:$0xf];
	[sflag:s12] =	ssyncadd.s32 $0xFFFFC000  }
0x4f: {  	[hbm4b:s24+s3] =	stream.linear.scatter [tilespmem:s8], [sflag:$0xB], $0x4000, $0x38;
	[tilespmem:$0x11000] =	vst v63  }
0x50: {  	s25 =	rddreg [dreg:$0x10]  }
0x51: {  	[tilespmem:s28], [sflag:$0x3] =	stream.linear.gather [hbm4b:s25+s3], $0x400, $0x38;
	[tilespmem:$0x11000] =	vst v63  }
0x52: {  	_ =	swait.ge [sflag:s13], $0x4000  }
0x53: {  	[sflag:s13] =	ssyncset.done $0x0  }
0x54: {  	[sflag:s13] =	ssyncadd.s32 $0xFFFFC000  }
0x55: {  	_ =	swait.ge [sflag:s29], $0x400  }
0x56: {  	[sflag:s29] =	ssyncset.done $0x0  }
0x57: {  	[sflag:s29] =	ssyncadd.s32 $0xFFFFFC00  }
0x58: {  	[tilespmem:s30], [sflag:$0x5] =	stream.indirect.gather [hbm4b:s4+s26], $0x10, s3, s26, $0xb8;
	[tilespmem:$0x11000] =	vst v63  }
0x59: {  	_ =	swait.ge [sflag:s14], $0x4000  }
0x5a: {  	[sflag:s14] =	ssyncset.done $0x0;
	s19 =	rddreg [dreg:$0x6]  }
0x5b: {  	s20 =	rddreg [dreg:$0x1b];
	[sflag:s14] =	ssyncadd.s32 $0xFFFFC000  }
0x5c: {  	[hbm4b:s20+s3] =	stream.linear.scatter [tilespmem:s11], [sflag:$0xC], $0x4000, $0x38;
	[tilespmem:$0x11000] =	vst v63  }
0x5d: {  	s5 =	sadd.s32 $0x0, s19  }
0x5e: {  	[tilespmem:s31], [sflag:$0x4] =	stream.linear.gather [hbm4b:s5+s3], $0x400, $0x38;
	[tilespmem:$0x11000] =	vst v63  }
0x5f: {  	_ =	swait.ge [sflag:s15], $0x4000  }
0x60: {  	[sflag:s15] =	ssyncset.done $0x0  }
0x61: {  	[sflag:s15] =	ssyncadd.s32 $0xFFFFC000  }
0x62: {  	_ =	swait.ge [sflag:s1], $0x400  }
0x63: {  	[sflag:s1] =	ssyncset.done $0x0  }
0x64: {  	[sflag:s1] =	ssyncadd.s32 $0xFFFFFC00  }
0x65: {  	[tilespmem:s0], [sflag:$0x6] =	stream.indirect.gather [hbm4b:s4+s26], $0x10, s26, s26, $0xb8;
	[tilespmem:$0x11000] =	vst v63  }
0x66: {  	_ =	swait.ge [sflag:s6], $0x4000  }
0x67: {  	s22 =	rddreg [dreg:$0x18]  }
0x68: {  	[sflag:s6] =	ssyncset.done $0x0;
	s21 =	sshrl.u32 s22, $0x3  }
0x69: {  	s19 =	rddreg [dreg:$0x5];
	[sflag:s6] =	ssyncadd.s32 $0xFFFFC000;
	s5 =	sadd.s32 s2, s21  }
0x6a: {  	[hbm4b:s5+s3] =	stream.linear.scatter [tilespmem:s30], [sflag:$0x9], $0x4000, $0x38;
	[tilespmem:$0x11000] =	vst v63  }
0x6b: {  	s23 =	sadd.s32 $0x0, s19  }
0x6c: {  	[tilespmem:s3], [sflag:$0x1] =	stream.linear.gather [hbm4b:s23+s3], $0x400, $0x38;
	[tilespmem:$0x11000] =	vst v63  }
0x6d: {  	_ =	swait.ge [sflag:s16], $0x4000  }
0x6e: {  	[sflag:s16] =	ssyncset.done $0x0  }
0x6f: {  	[sflag:s16] =	ssyncadd.s32 $0xFFFFC000  }
0x70: {  	_ =	swait.ge [sflag:s7], $0x400  }
0x71: {  	[sflag:s7] =	ssyncset.done $0x0  }
0x72: {  	[sflag:s7] =	ssyncadd.s32 $0xFFFFFC00  }
0x73: {  	[tilespmem:s8], [sflag:$0x7] =	stream.indirect.gather [hbm4b:s4+s26], $0x10, s28, s26, $0xb8;
	[tilespmem:$0x11000] =	vst v63  }
0x74: {  	_ =	swait.ge [sflag:s9], $0x4000  }
0x75: {  	[sflag:s9] =	ssyncset.done $0x0;
	s24 =	rddreg [dreg:$0x4]  }
0x76: {  	s25 =	rddreg [dreg:$0x1a];
	[sflag:s9] =	ssyncadd.s32 $0xFFFFC000  }
0x77: {  	[hbm4b:s25+s3] =	stream.linear.scatter [tilespmem:s0], [sflag:$0xA], $0x4000, $0x38;
	[tilespmem:$0x11000] =	vst v63  }
0x78: {  	s5 =	sadd.s32 $0x0, s24  }
0x79: {  	[tilespmem:s26], [sflag:$0x2] =	stream.linear.gather [hbm4b:s5+s3], $0x400, $0x38;
	[tilespmem:$0x11000] =	vst v63  }
0x7a: {  	_ =	swait.ge [sflag:s17], $0x4000  }
0x7b: {  	[sflag:s17] =	ssyncset.done $0x0  }
0x7c: {  	[sflag:s17] =	ssyncadd.s32 $0xFFFFC000  }
0x7d: {  	_ =	swait.ge [sflag:s10], $0x400  }
0x7e: {  	[sflag:s10] =	ssyncset.done $0x0  }
0x7f: {  	[sflag:s10] =	ssyncadd.s32 $0xFFFFFC00  }
0x80: {  	[tilespmem:s11], [sflag:$0x8] =	stream.indirect.gather [hbm4b:s4+s26], $0x10, s31, s26, $0xb8;
	[tilespmem:$0x11000] =	vst v63  }
0x81: {  	s20 =	sadd.s32 $0x2000, s20;
	_ =	swait.ge [sflag:s12], $0x4000  }
0x82: {  	s19 =	sadd.s32 $0x2000, s25;
	[sflag:s12] =	ssyncset.done $0x0;
	s21 =	rddreg [dreg:$0x3]  }
0x83: {  	s5 =	simm.s32 $0x200;
	s24 =	rddreg [dreg:$0x19];
	[sflag:s12] =	ssyncadd.s32 $0xFFFFC000  }
0x84: {  	s23 =	sadd.s32 $0x0, s21;
	s21 =	sadd.s32 $0x10000, s22;
	s22 =	sadd.s32 $0x2000, s24  }
0x85: {  	[hbm4b:s24+s3] =	stream.linear.scatter [tilespmem:s8], [sflag:$0xB], $0x4000, $0x38;
	[tilespmem:$0x11000] =	vst v63  }
.LBB2_2:
0x86: {  	[tilespmem:s28], [sflag:$0x3] =	stream.linear.gather [hbm4b:s23+s3], $0x400, $0x38;
	[tilespmem:$0x11000] =	vst v63  }
0x87: {  	_ =	swait.ge [sflag:s13], $0x4000  }
0x88: {  	[sflag:s13] =	ssyncset.done $0x0  }
0x89: {  	[sflag:s13] =	ssyncadd.s32 $0xFFFFC000  }
0x8a: {  	_ =	swait.ge [sflag:s29], $0x400  }
0x8b: {  	[sflag:s29] =	ssyncset.done $0x0  }
0x8c: {  	[sflag:s29] =	ssyncadd.s32 $0xFFFFFC00  }
0x8d: {  	[tilespmem:s30], [sflag:$0x5] =	stream.indirect.gather [hbm4b:s4+s26], $0x10, s3, s26, $0xb8;
	[tilespmem:$0x11000] =	vst v63  }
0x8e: {  	_ =	swait.ge [sflag:s14], $0x4000  }
0x8f: {  	[sflag:s14] =	ssyncset.done $0x0  }
0x90: {  	s23 =	smov.u32 s5;
	s24 =	rddreg [dreg:$0x6];
	[sflag:s14] =	ssyncadd.s32 $0xFFFFC000  }
0x91: {  	[hbm4b:s20+s3] =	stream.linear.scatter [tilespmem:s11], [sflag:$0xC], $0x4000, $0x38;
	[tilespmem:$0x11000] =	vst v63  }
0x92: {  	s24 =	sadd.s32 s23, s24  }
0x93: {  	[tilespmem:s31], [sflag:$0x4] =	stream.linear.gather [hbm4b:s24+s3], $0x400, $0x38;
	[tilespmem:$0x11000] =	vst v63  }
0x94: {  	_ =	swait.ge [sflag:s15], $0x4000  }
0x95: {  	[sflag:s15] =	ssyncset.done $0x0  }
0x96: {  	[sflag:s15] =	ssyncadd.s32 $0xFFFFC000  }
0x97: {  	_ =	swait.ge [sflag:s1], $0x400  }
0x98: {  	[sflag:s1] =	ssyncset.done $0x0  }
0x99: {  	[sflag:s1] =	ssyncadd.s32 $0xFFFFFC00  }
0x9a: {  	[tilespmem:s0], [sflag:$0x6] =	stream.indirect.gather [hbm4b:s4+s26], $0x10, s26, s26, $0xb8;
	[tilespmem:$0x11000] =	vst v63  }
0x9b: {  	_ =	swait.ge [sflag:s6], $0x4000  }
0x9c: {  	s24 =	sshrl.u32 s21, $0x3;
	[sflag:s6] =	ssyncset.done $0x0  }
0x9d: {  	s24 =	sadd.s32 s2, s24;
	s25 =	rddreg [dreg:$0x5];
	[sflag:s6] =	ssyncadd.s32 $0xFFFFC000  }
0x9e: {  	[hbm4b:s24+s3] =	stream.linear.scatter [tilespmem:s30], [sflag:$0x9], $0x4000, $0x38;
	[tilespmem:$0x11000] =	vst v63  }
0x9f: {  	s25 =	sadd.s32 s23, s25  }
0xa0: {  	[tilespmem:s3], [sflag:$0x1] =	stream.linear.gather [hbm4b:s25+s3], $0x400, $0x38;
	[tilespmem:$0x11000] =	vst v63  }
0xa1: {  	_ =	swait.ge [sflag:s16], $0x4000  }
0xa2: {  	[sflag:s16] =	ssyncset.done $0x0  }
0xa3: {  	[sflag:s16] =	ssyncadd.s32 $0xFFFFC000  }
0xa4: {  	_ =	swait.ge [sflag:s7], $0x400  }
0xa5: {  	[sflag:s7] =	ssyncset.done $0x0  }
0xa6: {  	[sflag:s7] =	ssyncadd.s32 $0xFFFFFC00  }
0xa7: {  	[tilespmem:s8], [sflag:$0x7] =	stream.indirect.gather [hbm4b:s4+s26], $0x10, s28, s26, $0xb8;
	[tilespmem:$0x11000] =	vst v63  }
0xa8: {  	_ =	swait.ge [sflag:s9], $0x4000  }
0xa9: {  	[sflag:s9] =	ssyncset.done $0x0  }
0xaa: {  	s25 =	rddreg [dreg:$0x4];
	[sflag:s9] =	ssyncadd.s32 $0xFFFFC000  }
0xab: {  	[hbm4b:s19+s3] =	stream.linear.scatter [tilespmem:s0], [sflag:$0xA], $0x4000, $0x38;
	[tilespmem:$0x11000] =	vst v63  }
0xac: {  	s24 =	sadd.s32 s23, s25  }
0xad: {  	[tilespmem:s26], [sflag:$0x2] =	stream.linear.gather [hbm4b:s24+s3], $0x400, $0x38;
	[tilespmem:$0x11000] =	vst v63  }
0xae: {  	_ =	swait.ge [sflag:s17], $0x4000  }
0xaf: {  	[sflag:s17] =	ssyncset.done $0x0  }
0xb0: {  	[sflag:s17] =	ssyncadd.s32 $0xFFFFC000  }
0xb1: {  	_ =	swait.ge [sflag:s10], $0x400  }
0xb2: {  	[sflag:s10] =	ssyncset.done $0x0  }
0xb3: {  	p0 =	sne.s32 s5, $0x2C00;
	[sflag:s10] =	ssyncadd.s32 $0xFFFFFC00  }
0xb4: {  	[tilespmem:s11], [sflag:$0x8] =	stream.indirect.gather [hbm4b:s4+s26], $0x10, s31, s26, $0xb8;
	[tilespmem:$0x11000] =	vst v63  }
.Ltmp0:
0xb5: {  	_ =	swait.ge [sflag:s12], $0x4000;
	(pc) =	sbr.rel @p0 .LBB2_2-.Ltmp0, $4  }
0xb6: {  	s5 =	sadd.s32 $0x200, s5;
	s20 =	sadd.s32 $0x2000, s20;
	[sflag:s12] =	ssyncset.done $0x0  }
0xb7: {  	s21 =	sadd.s32 $0x10000, s21;
	s25 =	rddreg [dreg:$0x3];
	[sflag:s12] =	ssyncadd.s32 $0xFFFFC000  }
0xb8: {  	[hbm4b:s22+s3] =	stream.linear.scatter [tilespmem:s8], [sflag:$0xB], $0x4000, $0x38;
	[tilespmem:$0x11000] =	vst v63  }
0xb9: {  	s19 =	sadd.s32 $0x2000, s19;
	s23 =	sadd.s32 s23, s25;
	s22 =	sadd.s32 $0x2000, s22  }
0xba: {  	[tilespmem:s28], [sflag:$0x3] =	stream.linear.gather [hbm4b:s23+s3], $0x400, $0x38;
	[tilespmem:$0x11000] =	vst v63  }
0xbb: {  	_ =	swait.ge [sflag:s13], $0x4000  }
0xbc: {  	[sflag:s13] =	ssyncset.done $0x0  }
0xbd: {  	[sflag:s13] =	ssyncadd.s32 $0xFFFFC000  }
0xbe: {  	_ =	swait.ge [sflag:s29], $0x400  }
0xbf: {  	[sflag:s29] =	ssyncset.done $0x0  }
0xc0: {  	[sflag:s29] =	ssyncadd.s32 $0xFFFFFC00  }
0xc1: {  	[tilespmem:s30], [sflag:$0x5] =	stream.indirect.gather [hbm4b:s4+s26], $0x10, s3, s26, $0xb8;
	[tilespmem:$0x11000] =	vst v63  }
0xc2: {  	_ =	swait.ge [sflag:s14], $0x4000  }
0xc3: {  	[sflag:s14] =	ssyncset.done $0x0  }
0xc4: {  	s5 =	rddreg [dreg:$0x11];
	[sflag:s14] =	ssyncadd.s32 $0xFFFFC000  }
0xc5: {  	[hbm4b:s5+s3] =	stream.linear.scatter [tilespmem:s11], [sflag:$0xC], $0x4000, $0x38;
	[tilespmem:$0x11000] =	vst v63  }
0xc6: {  	s20 =	rddreg [dreg:$0x12]  }
0xc7: {  	[tilespmem:s31], [sflag:$0x4] =	stream.linear.gather [hbm4b:s20+s3], $0x400, $0x38;
	[tilespmem:$0x11000] =	vst v63  }
0xc8: {  	_ =	swait.ge [sflag:s15], $0x4000  }
0xc9: {  	[sflag:s15] =	ssyncset.done $0x0  }
0xca: {  	[sflag:s15] =	ssyncadd.s32 $0xFFFFC000  }
0xcb: {  	_ =	swait.ge [sflag:s1], $0x400  }
0xcc: {  	[sflag:s1] =	ssyncset.done $0x0  }
0xcd: {  	[sflag:s1] =	ssyncadd.s32 $0xFFFFFC00  }
0xce: {  	[tilespmem:s0], [sflag:$0x6] =	stream.indirect.gather [hbm4b:s4+s26], $0x10, s26, s26, $0xb8;
	[tilespmem:$0x11000] =	vst v63  }
0xcf: {  	_ =	swait.ge [sflag:s6], $0x4000  }
0xd0: {  	[sflag:s6] =	ssyncset.done $0x0  }
0xd1: {  	s21 =	rddreg [dreg:$0x13];
	[sflag:s6] =	ssyncadd.s32 $0xFFFFC000  }
0xd2: {  	[hbm4b:s21+s3] =	stream.linear.scatter [tilespmem:s30], [sflag:$0x9], $0x4000, $0x38;
	[tilespmem:$0x11000] =	vst v63  }
0xd3: {  	_ =	swait.ge [sflag:s16], $0x4000  }
0xd4: {  	[sflag:s16] =	ssyncset.done $0x0  }
0xd5: {  	[sflag:s16] =	ssyncadd.s32 $0xFFFFC000  }
0xd6: {  	_ =	swait.ge [sflag:s7], $0x400  }
0xd7: {  	[sflag:s7] =	ssyncset.done $0x0  }
0xd8: {  	[sflag:s7] =	ssyncadd.s32 $0xFFFFFC00  }
0xd9: {  	[tilespmem:s8], [sflag:$0x7] =	stream.indirect.gather [hbm4b:s4+s26], $0x10, s28, s26, $0xb8;
	[tilespmem:$0x11000] =	vst v63  }
0xda: {  	_ =	swait.ge [sflag:s9], $0x4000  }
0xdb: {  	[sflag:s9] =	ssyncset.done $0x0  }
0xdc: {  	s22 =	rddreg [dreg:$0x14];
	[sflag:s9] =	ssyncadd.s32 $0xFFFFC000  }
0xdd: {  	[hbm4b:s22+s3] =	stream.linear.scatter [tilespmem:s0], [sflag:$0xA], $0x4000, $0x38;
	[tilespmem:$0x11000] =	vst v63  }
0xde: {  	_ =	swait.ge [sflag:s17], $0x4000  }
0xdf: {  	[sflag:s17] =	ssyncset.done $0x0  }
0xe0: {  	[sflag:s17] =	ssyncadd.s32 $0xFFFFC000  }
0xe1: {  	_ =	swait.ge [sflag:s10], $0x400  }
0xe2: {  	[sflag:s10] =	ssyncset.done $0x0  }
0xe3: {  	[sflag:s10] =	ssyncadd.s32 $0xFFFFFC00  }
0xe4: {  	[tilespmem:s11], [sflag:$0x8] =	stream.indirect.gather [hbm4b:s4+s26], $0x10, s31, s26, $0xb8;
	[tilespmem:$0x11000] =	vst v63  }
0xe5: {  	_ =	swait.ge [sflag:s12], $0x4000  }
0xe6: {  	[sflag:s12] =	ssyncset.done $0x0  }
0xe7: {  	s23 =	rddreg [dreg:$0x15];
	[sflag:s12] =	ssyncadd.s32 $0xFFFFC000  }
0xe8: {  	[hbm4b:s23+s3] =	stream.linear.scatter [tilespmem:s8], [sflag:$0xB], $0x4000, $0x38;
	[tilespmem:$0x11000] =	vst v63  }
0xe9: {  	_ =	swait.ge [sflag:s14], $0x4000  }
0xea: {  	[sflag:s14] =	ssyncset.done $0x0  }
0xeb: {  	s24 =	rddreg [dreg:$0x16];
	[sflag:s14] =	ssyncadd.s32 $0xFFFFC000  }
0xec: {  	[hbm4b:s24+s3] =	stream.linear.scatter [tilespmem:s11], [sflag:$0xC], $0x4000, $0x38;
	[tilespmem:$0x11000] =	vst v63  }
0xed: {  	_ =	swait.ge [sflag:s13], $0x4000  }
0xee: {  	[sflag:s13] =	ssyncset.done $0x0  }
0xef: {  	[sflag:s13] =	ssyncadd.s32 $0xFFFFC000  }
0xf0: {  	_ =	swait.ge [sflag:s15], $0x4000  }
0xf1: {  	[sflag:s15] =	ssyncset.done $0x0  }
0xf2: {  	[sflag:s15] =	ssyncadd.s32 $0xFFFFC000  }
0xf3: {  	_ =	swait.ge [sflag:s16], $0x4000  }
0xf4: {  	[sflag:s16] =	ssyncset.done $0x0  }
0xf5: {  	[sflag:s16] =	ssyncadd.s32 $0xFFFFC000  }
0xf6: {  	_ =	swait.ge [sflag:s17], $0x4000  }
0xf7: {  	s18 =	sadd.s32 $0x1, s18;
	s25 =	rddreg [dreg:$0x17]  }
0xf8: {  	p0 =	sne.s32 s18, s25  }
.Ltmp1:
0xf9: {  	_ = 	snop;
	(pc) =	sbr.rel @p0 .LBB2_1-.Ltmp1, $3  }
0xfa: {  	_ =	sdelay $0x1  }
0xfb: {  	[sflag:s17] =	ssyncset.done $0x0  }
0xfc: {  	[sflag:s17] =	ssyncadd.s32 $0xFFFFC000  }
0xfd: {  	_ =	sfence.sel $0x180000  }
0xfe: {  	[bflag:$0x0] =	sbarrier.arrive $0xFFFF  }
0xff: {  	_ =	strace $0x90000047  }
0x100: {  	s0 =	stileid.u32;
	[bflag:$0x2] =	sbarrier.arrive $0xFFFF  }
0x101: {  	p0 =	sne.s32 s0, $0x0;
	s0 =	rddreg [dreg:$0x2]  }
0x102: {  	s0 =	sadd.s32 @!p0 $0x100000, s0  }
0x103: {  	[sflag:s0] =	ssyncadd.tile.s32 @!p0 $0x1;
	_ =	shalt  }
.Lfunc_end2:
_tile_overlayer_lowered:
.L_overlay_start_2:
0x104: {  	(tag) =	ssettag $0x2  }
0x105: {  	s0 =	rddreg [dreg:$0x0];
	s2 =	stileid.u32  }
0x106: {  	s1 =	rddreg [dreg:$0x1];
	p0 =	sne.s32 s2, $0x0  }
0x107: {  	s3 =	rddreg [dreg:$0x2];
	[bflag:$0x3] =	sbarrier.arrive $0xFFFF;
	s2 =	simm.s32 @!p0 $0x1C0D  }
0x108: {  	[timem:s3], [sflag:s2] =	dma.local @!p0 [hbm:s0], s1  }
0x109: {  	s0 =	simm.s32 @!p0 $0xD  }
0x10a: {  	_ =	swait.ge @!p0 [sflag:s0], s1  }
0x10b: {  	s1 =	ssub.s32 @!p0 $0x0, s1;
	[sflag:s0] =	ssyncset.done @!p0 $0x0  }
0x10c: {  	[sflag:s0] =	ssyncadd.s32 @!p0 s1  }
0x10d: {  	[bflag:$0x3] =	sbarrier.arrive $0xFFFF  }
0x10e: {  	_ =	shalt  }

// kernel: sparse-core-data-format-call.cloned.1.call-start
scs
called_computation_lowered:
.L_overlay_start_0:
0x0: {  	s2 =	sld [smem:$0x3FD9]  }
0x1: {  	s3 =	sld [smem:$0x3FFE];
	_ =	sdelay $0x1  }
0x2: {  	s1 =	srdreg.scid  }
0x3: {  	s0 =	sand.u32 $0x1, s1  }
0x4: {  	s18 =	sshll.u32 s0, $0xA;
	s2 =	sadd.s32 s3, s2  }
0x5: {  	s2 =	sadd.s32 s2, s18  }
0x6: {  	[smem:$0x3FC6] =	sst s2  }
0x7: {  	_ = 	snop  }
0x8: {  	s2 =	sld [smem:$0x3FD0];
	(tm) =	ssettm $0x1  }
0x9: {  	s19 =	sld [smem:$0x3FFB];
	_ =	sdelay $0x3  }
0xa: {  	_ =	strace s19  }
0xb: {  	s3 =	sld [smem:$0x3FFC];
	_ =	sdelay $0x3  }
0xc: {  	_ =	strace s3  }
0xd: {  	s3 =	sld [smem:$0x3FFD];
	_ =	sdelay $0x3  }
0xe: {  	_ =	strace s3  }
0xf: {  	_ =	strace $0x8FFFFFFF  }
0x10: {  	s20 =	sld [smem:$0x3FDB];
	_ =	sdelay $0x1  }
0x11: {  	s4 =	simm.s32 $_scs_section_size  }
0x12: {  	s5 =	simm.s32 $_size__tile_overlayer_lowered;
	s6 =	simm.s32 $_tile_overlayer_lowered  }
0x13: {  	s23 =	simm.s32 $0x1BFF;
	s22 =	sshll.u32 s6, $0x1;
	s3 =	sadd.s32 s4, s20  }
0x14: {  	s7 =	simm.s32 $0x0;
	s21 =	sshll.u32 s5, $0x1;
	s5 =	sadd.s32 s22, s3  }
0x15: {  	[timem:s7], [sflag:s23] =	dma.local [hbm:s5], s21  }
0x16: {  	_ =	swait.ge [sflag:s23], s21  }
0x17: {  	s4 =	ssub.s32 $0x0, s21;
	[sflag:s23] =	ssyncset.done $0x0  }
0x18: {  	[sflag:s23] =	ssyncadd.s32 s4;
	_ =	sdelay $0x1  }
0x19: {  	s24 =	simm.s32 $0x1B8B  }
0x1a: {  	_ =	swait.ge [sflag:s24], $0x1  }
0x1b: {  	[sflag:s24] =	ssyncset.done $0x0  }
0x1c: {  	s26 =	simm.s32 $0x1B8E;
	s25 =	sld [smem:$0x3FFE];
	[sflag:s24] =	ssyncadd.s32 $0xFFFFFFFF  }
0x1d: {  	s27 =	simm.s32 $execute0_lowered;
	[smem:$0x3FD2] =	sst s26  }
0x1e: {  	s5 =	sshll.u32 s27, $0x1;
	_ =	strace $0x80000049;
	[dreg:$0x1] =	wrdreg $0xFFFFFFFF  }
0x1f: {  	s28 =	simm.s32 $_size_execute0_lowered;
	s3 =	sadd.s32 s3, s5;
	[dreg:$0x0] =	wrdreg $0x0  }
0x20: {  	s5 =	sshll.u32 s28, $0x1;
	[dreg:$0x2] =	wrdreg s3  }
0x21: {  	[dreg:$0x3] =	wrdreg s5  }
0x22: {  	[dreg:$0x4] =	wrdreg $0xC0  }
0x23: {  	_ =	task [dreg:s7], $0x5FFFF  }
0x24: {  	[dreg:$0x1] =	wrdreg $0xFFFFFFFF  }
0x25: {  	[dreg:$0x0] =	wrdreg $0x60  }
0x26: {  	[dreg:$0x2] =	wrdreg s25  }
0x27: {  	[dreg:$0x3] =	wrdreg s2  }
0x28: {  	[dreg:$0x4] =	wrdreg $0x9  }
0x29: {  	_ =	task.clear_ibuf [dreg:s7], $0x5FFFF;
	_ =	strace $0x90000049  }
0x2a: {  	s29 =	simm.s32 $0x9;
	_ =	strace $0x8000004B  }
0x2b: {  	_ =	swait.ge [sflag:s29], $0x1  }
0x2c: {  	[sflag:s29] =	ssyncadd.s32 $0xFFFFFFFF  }
0x2d: {  	_ =	strace $0x9000004B  }
0x2e: {  	_ =	sfence  }
0x2f: {  	s30 =	sld [smem:$0x0];
	_ =	sdelay $0x2  }
0x30: {  	s31 =	sshll.u32 s1, $0xD;
	s1 =	sshrl.u32 s1, $0x2  }
0x31: {  	s3 =	sand.u32 $0x4000, s31;
	s1 =	sadd.s32 s1, s30  }
0x32: {  	s0 =	sor.u32 s3, s0;
	s1 =	sshll.u32 s1, $0x11  }
0x33: {  	s0 =	sor.u32 s1, s0  }
0x34: {  	s0 =	sadd.s32 $0x8F2B, s0  }
0x35: {  	[sflag:s0] =	ssyncadd.remote.s32 $0x1  }
0x36: {  	_ =	sfence.sel $0xFFFF  }
0x37: {  	[dreg:$0x0] =	wrdreg $0xFFFFFFFF;
	(pc) =	sbr.abs _section_cstart, $3  }
0x38: {  	[dreg:$0x1] =	wrdreg $0xFFFFFFFF  }
0x39: {  	_ =	task.clear_ibuf [dreg:s7], $0x2FFFF;
	_ =	strace $0x9FFFFFFF  }
0x3a: {  	(tm) =	ssettm $0x7FFFFFFF  }
0x3b: {  	_ =	shalt  }
tec
execute0_lowered:
.L_overlay_start_1:
0x0: {  	(tag) =	ssettag $0x1  }
0x1: {  	s0 =	srdreg.scid  }
0x2: {  	s1 =	sshll.u32 s0, $0x4  }
0x3: {  	s0 =	stileid.u32;
	s1 =	sand.u32 $0x10, s1  }
0x4: {  	s1 =	sor.u32 s0, s1  }
0x5: {  	s6 =	rddreg [dreg:$0x0];
	s4 =	simm.s32 $0x1;
	s2 =	sshll.u32 s1, $0x7  }
0x6: {  	s7 =	simm.s32 $0x2;
	s12 =	simm.s32 $0x0;
	s1 =	ssub.s32 $0x4000, s2  }
0x7: {  	s8 =	simm.s32 $0x20000;
	s13 =	simm.s32 $0x0;
	s3 =	sand.u32 $0xF80, s1  }
0x8: {  	s9 =	simm.s32 $0x0;
	s5 =	sshrl.u32 s1, $0xC;
	p0 =	sne.s32 s3, $0x0  }
.Ltmp0:
0x9: {  	s1 =	rddreg [dreg:$0x2];
	s4 =	simm.s32 @!p0 $0x0;
	(pc) =	sbr.rel .LBB1_1-.Ltmp0, $4  }
0xa: {  	s11 =	simm.s32 $0x0;
	s3 =	rddreg [dreg:$0x1];
	s5 =	sadd.s32 s4, s5  }
0xb: {  	_ =	strace $0x8000004A;
	s4 =	simm.s32 $0x1;
	s5 =	smul.u32 $0xC8, s5  }
0xc: {  	s6 =	sadd.s32 $0x800, s6;
	s10 =	smov.u32 s2;
	[sflag:s4] =	ssyncpa.u1 $0x0  }
0xd: {  	p0 =	por $0x0, $0x0;
	[sflag:s7] =	ssyncpa.u1 $0x0;
	s7 =	sor.u32 $0x1, s5  }
.LBB1_4:
0xe: {  	s16 =	sshll.u32 s13, $0x3;
	s17 =	sand.u32 $0x78, s13  }
0xf: {  	s30 =	sand.u32 $0x7800, s13;
	s12 =	sshll.u32 s12, $0xF;
	s16 =	sand.u32 $0x3C00, s16  }
0x10: {  	s31 =	sand.u32 $0x7, s13;
	s16 =	sor.u32 s17, s16;
	s17 =	sadd.s32 s3, s30  }
0x11: {  	s13 =	sshll.u32 s31, $0x12;
	s16 =	sshrl.u32 s16, $0x3;
	s12 =	sadd.s32 s12, s17  }
0x12: {  	[tilespmem:s15+$0x0 ss:$0x81] =	vst.msk $0xffff, v1;
	s13 =	sor.u32 $0x400, s13;
	s12 =	sadd.s32 s16, s12  }
0x13: {  	[hbm4b:s12+s13] =	stream.strided.scatter [tilespmem:s14], [sflag:$0x2], $0x800, s8, s13, $0x20;
	[tilespmem:$0x2020] =	vst v63  }
.LBB1_5:
0x14: {  	s14 =	sadd.s32 $0x1, s9  }
0x15: {  	s12 =	sadd.s32 $0x1000, s10;
	s16 =	smov.u32 s10;
	p2 =	sgt.s32 s14, $0xC7  }
0x16: {  	s16 =	smov.u32 @p2 s12  }
0x17: {  	s14 =	simm.s32 @p2 $0x0;
	p2 =	sgt.s32 s16, $0x3FFF  }
0x18: {  	s16 =	smov.u32 @p2 s2;
	p2 =	sne.s32 s11, s7  }
.Ltmp1:
0x19: {  	p1 =	slt.u32 s11, $0x2;
	(pc) =	sbr.rel @!p2 .LBB1_6-.Ltmp1, $4  }
0x1a: {  	s15 =	simm.s32 @!p1 $0x2  }
0x1b: {  	s13 =	smov.u32 s10;
	p0 =	por !p0, !p0;
	_ =	swait.ge @!p1 [sflag:s15], $0x800  }
0x1c: {  	s12 =	smov.u32 s9;
	[sflag:s15] =	ssyncset.done @!p1 $0x0;
	s9 =	smov.u32 s14  }
0x1d: {  	s11 =	sadd.s32 $0x1, s11;
	[sflag:s15] =	ssyncadd.s32 @!p1 $0xFFFFF800;
	s10 =	smov.u32 s16  }
.LBB1_1:
0x1e: {  	p1 =	sge.u32 s11, s5  }
0x1f: {  	s14 =	sand.u32 @!p1 $0x1FFFFFF, s9  }
0x20: {  	s15 =	smulhi.u32 @!p1 $0x147AE15, s14;
	_ =	sdelay $0x1  }
0x21: {  	s15 =	smul.u32 @!p1 $0xC8, s15  }
0x22: {  	s16 =	sxor.u32 @!p1 $0xFFFFFFFF, s11;
	s17 =	smul.u32 @!p1 $0xC80, s10  }
0x23: {  	s31 =	sadd.s32 $0xFFFFFFFF, s11;
	s16 =	sshll.u32 @!p1 s16, $0xB;
	s14 =	ssub.s32 @!p1 s14, s15  }
0x24: {  	s15 =	sand.u32 @!p1 $0x800, s16;
	s16 =	sadd.s32 @!p1 s6, s17;
	s14 =	sshll.u32 @!p1 s14, $0x4  }
0x25: {  	s17 =	simm.s32 @!p1 $0x6400;
	s14 =	sadd.s32 @!p1 s14, s16;
	s16 =	simm.s32 @!p1 $0x10  }
0x26: {  	[tilespmem:s15], [sflag:$0x1] =	stream.strided.gather @!p1 [hbm4b:s14+s16], $0x800, s17, s16, $0x38;
	[tilespmem:$0x2020] =	vst v63  }
0x27: {  	p1 =	sge.u32 s31, s5  }
.Ltmp2:
0x28: {  	_ = 	snop;
	(pc) =	sbr.rel @p1 .LBB1_5-.Ltmp2, $1  }
0x29: {  	_ =	sdelay $0x3  }
0x2a: {  	s14 =	simm.s32 $0x1  }
0x2b: {  	s14 =	simm.s32 @!p0 $0x0  }
0x2c: {  	s15 =	sshll.u32 s14, $0xB  }
0x2d: {  	v0 =	vmov s15;
	_ =	sdelay $0x1  }
0x2e: {  	_ =	swait.ge [sflag:s4], $0x800  }
0x2f: {  	s31 =	sand.u32 $0x1, s11;
	[sflag:s4] =	ssyncset.done $0x0  }
0x30: {  	s17 =	simm.s32 $0x0;
	s14 =	smul.u32 $0x2040, s14;
	[sflag:s4] =	ssyncadd.s32 $0xFFFFF800  }
0x31: {  	s15 =	smul.u32 $0x2040, s31;
	v1 =	vld.idx.msk [tilespmem:v0+s17+$0x0 ss:$0x1], $0xffff;
	_ =	sdelay $0x1  }
0x32: {  	s14 =	sshrl.u32 s14, $0x2;
	s16 =	sshrl.u32 s15, $0x2  }
0x33: {  	s15 =	sor.u32 $0x1000, s14;
	s14 =	sor.u32 $0x1000, s16;
	s16 =	simm.s32 $0x40  }
.LBB1_3:
0x34: {  	s17 =	sshra.s32 s16, $0x2;
	p1 =	sne.s32 s16, $0x1FC0;
	s16 =	sadd.s32 $0x40, s16  }
.Ltmp3:
0x35: {  	[tilespmem:s15+$0x0 ss:$0x81] =	vst.msk $0xffff, v1;
	v1 =	vld.idx.msk [tilespmem:v0+s17+$0x0 ss:$0x1], $0xffff;
	(pc) =	sbr.rel @p1 .LBB1_3-.Ltmp3, $2  }
0x36: {  	_ =	sdelay $0x2  }
0x37: {  	s15 =	sadd.s32 $0x1, s15  }
.Ltmp4:
0x38: {  	_ = 	snop;
	(pc) =	sbr.rel .LBB1_4-.Ltmp4, $1  }
0x39: {  	_ =	sdelay $0x3  }
.LBB1_6:
0x3a: {  	_ =	sfence.sel $0x180000  }
0x3b: {  	s2 =	simm.s32 $0x1;
	[bflag:$0x0] =	sbarrier.arrive $0xFFFF  }
0x3c: {  	s31 =	simm.s32 $0x2;
	[sflag:s2] =	ssyncpa.u1 $0x1  }
0x3d: {  	[sflag:s31] =	ssyncpa.u1 $0x1  }
0x3e: {  	p0 =	sne.s32 s0, $0x0;
	_ =	strace $0x9000004A  }
0x3f: {  	s0 =	sadd.s32 @!p0 $0x100000, s1;
	[bflag:$0x2] =	sbarrier.arrive $0xFFFF  }
0x40: {  	[sflag:s0] =	ssyncadd.tile.s32 @!p0 $0x1;
	_ =	shalt  }
.Lfunc_end1:
_tile_overlayer_lowered:
.L_overlay_start_2:
0x41: {  	(tag) =	ssettag $0x2  }
0x42: {  	s0 =	rddreg [dreg:$0x0];
	s2 =	stileid.u32  }
0x43: {  	s1 =	rddreg [dreg:$0x1];
	p0 =	sne.s32 s2, $0x0  }
0x44: {  	s3 =	rddreg [dreg:$0x2];
	[bflag:$0x3] =	sbarrier.arrive $0xFFFF;
	s2 =	simm.s32 @!p0 $0x1C01  }
0x45: {  	[timem:s3], [sflag:s2] =	dma.local @!p0 [hbm:s0], s1  }
0x46: {  	s0 =	simm.s32 @!p0 $0x1  }
0x47: {  	_ =	swait.ge @!p0 [sflag:s0], s1  }
0x48: {  	s1 =	ssub.s32 @!p0 $0x0, s1;
	[sflag:s0] =	ssyncset.done @!p0 $0x0  }
0x49: {  	[sflag:s0] =	ssyncadd.s32 @!p0 s1  }
0x4a: {  	[bflag:$0x3] =	sbarrier.arrive $0xFFFF  }
0x4b: {  	_ =	shalt  }

</sc_bundles>
